<compile_context>
chip_gen: v7x
topology: tpu7x:2x2x1
jax: 0.10.2.dev20260603
libtpu: 0.0.44.dev20260713+nightly
codegen_flags: <defaults>
</compile_context>

<pallas_src>
import functools

import jax
import jax.numpy as jnp
from jax import lax
from jax.experimental import pallas as pl
from jax.experimental.pallas import tpu as pltpu
from jax.experimental.pallas import tpu_sc as plsc

D_MODEL = 768
NUM_HEADS = 12
_F32_MIN = float(jnp.finfo(jnp.float32).min)

_NUM_CORES = 2
_NUM_SUBCORES = 16
_NUM_WORKERS = _NUM_CORES * _NUM_SUBCORES


def _make_sc_pipe(n_tokens: int, n_bias: int, chunk: int, nbuf: int,
                  delay: int):
    assert n_tokens % _NUM_WORKERS == 0
    per_w = n_tokens // _NUM_WORKERS
    assert per_w % chunk == 0
    n_chunks = per_w // chunk
    assert n_bias % (_NUM_WORKERS * 16) == 0
    bias_per_w = n_bias // _NUM_WORKERS

    mesh = plsc.VectorSubcoreMesh(core_axis_name="c", subcore_axis_name="s")

    @functools.partial(
        pl.kernel,
        out_type=(
            jax.ShapeDtypeStruct((n_tokens, D_MODEL), jnp.float32),
            jax.ShapeDtypeStruct((n_tokens,), jnp.float32),
            jax.ShapeDtypeStruct((n_bias,), jnp.float32),
        ),
        mesh=mesh,
        scratch_types=[
            pltpu.VMEM((per_w,), jnp.int32),
            pltpu.VMEM((per_w,), jnp.int32),
            pltpu.VMEM((per_w,), jnp.float32),
            pltpu.VMEM((bias_per_w,), jnp.float32),
            pltpu.VMEM((nbuf, chunk, D_MODEL), jnp.float32),
            pltpu.SemaphoreType.DMA,
            pltpu.SemaphoreType.DMA,
            pltpu.SemaphoreType.DMA,
        ],
    )
    def sc_pipe(ids_hbm, mask_hbm, table_hbm, out_hbm, ext_hbm, bias_hbm,
                idx_v, mask_v, ext_v, bias_v, bufs, gsem, ssem, msem):
        wid = lax.axis_index("s") * _NUM_CORES + lax.axis_index("c")
        base = wid * per_w
        pltpu.sync_copy(ids_hbm.at[pl.ds(base, per_w)], idx_v)
        gathers = [None] * n_chunks
        scatters = [None] * n_chunks
        for c in range(min(nbuf, n_chunks)):
            gathers[c] = pltpu.async_copy(
                table_hbm.at[idx_v.at[pl.ds(c * chunk, chunk)]], bufs.at[c], gsem
            )
        pltpu.sync_copy(mask_hbm.at[pl.ds(base, per_w)], mask_v)

        for i in range(per_w // 16):
            m = mask_v[pl.ds(i * 16, 16)].astype(jnp.float32)
            ext_v[pl.ds(i * 16, 16)] = (1.0 - m) * _F32_MIN
        ext_copy = pltpu.async_copy(ext_v, ext_hbm.at[pl.ds(base, per_w)], msem)

        zero16 = jnp.zeros((16,), jnp.float32)

        def zbody(i, carry):
            bias_v[pl.ds(i * 16, 16)] = zero16
            return carry

        lax.fori_loop(0, bias_per_w // 16, zbody, 0)
        bias_copy = pltpu.async_copy(
            bias_v, bias_hbm.at[pl.ds(wid * bias_per_w, bias_per_w)], msem
        )

        for c in range(n_chunks):
            gathers[c].wait()
            scatters[c] = pltpu.async_copy(
                bufs.at[c % nbuf], out_hbm.at[pl.ds(base + c * chunk, chunk)],
                ssem,
            )
            r = c - delay
            if 0 <= r and r + nbuf < n_chunks:
                scatters[r].wait()
                scatters[r] = None
                gathers[r + nbuf] = pltpu.async_copy(
                    table_hbm.at[idx_v.at[pl.ds((r + nbuf) * chunk, chunk)]],
                    bufs.at[r % nbuf], gsem,
                )
        for s in scatters:
            if s is not None:
                s.wait()
        ext_copy.wait()
        bias_copy.wait()

    return sc_pipe


def kernel(encoder_input_ids, encoder_attention_mask, decoder_input_ids,
           decoder_attention_mask, embedding_table):
    batch, seq = encoder_input_ids.shape
    n_tokens = batch * seq
    n_bias = batch * NUM_HEADS * seq

    ids_flat = encoder_input_ids.reshape(n_tokens)
    mask_flat = encoder_attention_mask.reshape(n_tokens)

    pipe = _make_sc_pipe(n_tokens, n_bias, chunk=32, nbuf=5, delay=2)
    hidden, ext, bias = pipe(ids_flat, mask_flat, embedding_table)

    hidden = hidden.reshape(batch, seq, D_MODEL)
    ext = ext.reshape(batch, 1, 1, seq)
    bias = bias.reshape(batch, NUM_HEADS, seq, 1)

    return (hidden, ext, bias, decoder_input_ids, decoder_attention_mask,
            encoder_attention_mask)

# --- scband reference (transcript-rebuilt; emitter-appended) ---
"""Pipeline reference for scband-encoder-embed-pipe-87101936763319 (READ-ONLY COPY).

The authoritative reference and input builder live on the scoring server;
editing this copy changes nothing except your own understanding.
"""

import jax, jax.numpy as jnp
import numpy as np

VOCAB = 32128
D_MODEL = 768
NUM_HEADS = 12
BATCH = 4
SEQ = 2048


def get_extended_attention_mask(attention_mask, dtype=jnp.float32):
    # HF-style encoder (non-causal) extended mask: [B, S] -> [B, 1, 1, S]
    extended = attention_mask[:, None, None, :].astype(dtype)
    extended = (1.0 - extended) * jnp.finfo(dtype).min
    return extended


def setup_inputs(seed: int = 0) -> dict:
    key = jax.random.key(seed)
    k1, k2, k3 = jax.random.split(key, 3)
    encoder_input_ids = jax.random.randint(k1, (BATCH, SEQ), 0, VOCAB, dtype=jnp.int64 if jax.config.jax_enable_x64 else jnp.int32)
    encoder_attention_mask = jnp.ones((BATCH, SEQ), dtype=encoder_input_ids.dtype)
    decoder_input_ids = jax.random.randint(k2, (BATCH, SEQ), 0, VOCAB, dtype=encoder_input_ids.dtype)
    decoder_attention_mask = jnp.ones((BATCH, SEQ), dtype=encoder_input_ids.dtype)
    embedding_table = jax.random.normal(k3, (VOCAB, D_MODEL), dtype=jnp.float32) * 0.02
    return {
        "encoder_input_ids": encoder_input_ids,
        "encoder_attention_mask": encoder_attention_mask,
        "decoder_input_ids": decoder_input_ids,
        "decoder_attention_mask": decoder_attention_mask,
        "embedding_table": embedding_table,
    }


def reference(encoder_input_ids, encoder_attention_mask, decoder_input_ids, decoder_attention_mask, embedding_table):
    batch_size, seq_length = encoder_input_ids.shape
    # nn.Embedding lookup
    encoder_hidden_states = jnp.take(embedding_table, encoder_input_ids, axis=0)
    # dropout is identity in eval/inference mode
    extended_encoder_attention_mask = get_extended_attention_mask(encoder_attention_mask)
    # torch.empty -> deterministic zeros placeholder (same shape/dtype)
    encoder_position_bias = jnp.zeros((batch_size, NUM_HEADS, seq_length, 1), dtype=jnp.float32)
    return (
        encoder_hidden_states,
        extended_encoder_attention_mask,
        encoder_position_bias,
        decoder_input_ids,
        decoder_attention_mask,
        encoder_attention_mask,
    )

if __name__ == "__main__":
    import jax
    _d = setup_inputs()
    print(jax.jit(kernel)(*tuple(_d.values())))

</pallas_src>

<mosaic_0001>
#map = affine_map<(d0, d1) -> (0)>
#map1 = affine_map<(d0, d1) -> (0, 0)>
module attributes {stable_mosaic.version = 14 : i64} {
  func.func @sc_pipe(%arg0: i32, %arg1: i32, %arg2: memref<8192xi32, #tpu.memory_space<hbm>>, %arg3: memref<8192xi32, #tpu.memory_space<hbm>>, %arg4: memref<32128x768xf32, #tpu.memory_space<hbm>>, %arg5: memref<8192x768xf32, #tpu.memory_space<hbm>>, %arg6: memref<8192xf32, #tpu.memory_space<hbm>>, %arg7: memref<98304xf32, #tpu.memory_space<hbm>>, %arg8: memref<256xi32, #tpu.memory_space<vmem>>, %arg9: memref<256xi32, #tpu.memory_space<vmem>>, %arg10: memref<256xf32, #tpu.memory_space<vmem>>, %arg11: memref<3072xf32, #tpu.memory_space<vmem>>, %arg12: memref<5x32x768xf32, #tpu.memory_space<vmem>>, %arg13: memref<!tpu.dma_semaphore, #tpu.memory_space<semaphore_mem>>, %arg14: memref<!tpu.dma_semaphore, #tpu.memory_space<semaphore_mem>>, %arg15: memref<!tpu.dma_semaphore, #tpu.memory_space<semaphore_mem>>) attributes {dimension_semantics = [#tpu.dimension_semantics<core_parallel>, #tpu.dimension_semantics<subcore_parallel>], iteration_bounds = array<i64: 2, 16>, scalar_prefetch = 0 : i64, scratch_operands = 8 : i64, tpu.core_type = #tpu.core_type<sc_vector_subcore>, window_params = [{transform_indices = #map}, {transform_indices = #map}, {transform_indices = #map1}, {transform_indices = #map1}, {transform_indices = #map}, {transform_indices = #map}]} {
    %mul3A = arith.constant 2 : i32
    %mul3A_0 = arith.muli %arg1, %mul3A : i32
    %add3A = arith.addi %mul3A_0, %arg0 : i32
    %mul3A_1 = arith.constant 256 : i32
    %mul3A_2 = arith.muli %add3A, %mul3A_1 : i32
    "tpu.region"() ({
      %run_scoped3A = tpu.sem_alloc : memref<!tpu.dma_semaphore, #tpu.memory_space<semaphore_mem>>
      %dma_start3A_621 = tpu.memref_slice %arg2[%mul3A_2] : memref<8192xi32, #tpu.memory_space<hbm>> -> memref<256xi32, #tpu.memory_space<hbm>>
      %dma_start3A_622 = tpu.memref_slice %arg2[%mul3A_2] : memref<8192xi32, #tpu.memory_space<hbm>> -> memref<256xi32, #tpu.memory_space<hbm>>
      tpu.enqueue_dma source(%dma_start3A_622 : memref<256xi32, #tpu.memory_space<hbm>>) target(%arg8 : memref<256xi32, #tpu.memory_space<vmem>>) target_semaphore(%run_scoped3A : memref<!tpu.dma_semaphore, #tpu.memory_space<semaphore_mem>>)
      %dma_wait3A_623 = tpu.memref_slice %arg2[%mul3A_2] : memref<8192xi32, #tpu.memory_space<hbm>> -> memref<256xi32, #tpu.memory_space<hbm>>
      %dma_wait3A_624 = tpu.memref_slice %arg2[%mul3A_2] : memref<8192xi32, #tpu.memory_space<hbm>> -> memref<256xi32, #tpu.memory_space<hbm>>
      tpu.wait_dma2 semaphore(%run_scoped3A : memref<!tpu.dma_semaphore, #tpu.memory_space<semaphore_mem>>) src(%dma_wait3A_624 : memref<256xi32, #tpu.memory_space<hbm>>) dst(%arg8 : memref<256xi32, #tpu.memory_space<vmem>>)
      tpu.yield
    }) : () -> ()
    %dma_start3A = arith.constant 0 : i32
    %dma_start3A_3 = arith.constant 0 : i32
    %dma_start3A_4 = arith.constant 0 : i32
    %dma_start3A_5 = tpu.memref_slice %arg12[%dma_start3A, %dma_start3A_3, %dma_start3A_4] : memref<5x32x768xf32, #tpu.memory_space<vmem>> -> memref<1x32x768xf32, #tpu.memory_space<vmem>>
    %dma_start3A_6 = tpu.memref_squeeze %dma_start3A_5 : memref<1x32x768xf32, #tpu.memory_space<vmem>> -> memref<32x768xf32, #tpu.memory_space<vmem>>
    %dma_start3A_7 = arith.constant 0 : i32
    %dma_start3A_8 = tpu.memref_slice %arg8[%dma_start3A_7] : memref<256xi32, #tpu.memory_space<vmem>> -> memref<32xi32, #tpu.memory_space<vmem>>
    %dma_start3A_9 = arith.constant 0 : i32
    %dma_start3A_10 = arith.constant 0 : i32
    %dma_start3A_11 = tpu.memref_slice %arg4[%dma_start3A_9, %dma_start3A_10] : memref<32128x768xf32, #tpu.memory_space<hbm>> -> memref<32128x768xf32, #tpu.memory_space<hbm>>
    tpu.enqueue_indirect_dma source(%dma_start3A_11 : memref<32128x768xf32, #tpu.memory_space<hbm>>) target(%dma_start3A_6 : memref<32x768xf32, #tpu.memory_space<vmem>>) offsets(%dma_start3A_8 : memref<32xi32, #tpu.memory_space<vmem>>) semaphore(%arg13 : memref<!tpu.dma_semaphore, #tpu.memory_space<semaphore_mem>>)
    %dma_start3A_12 = arith.constant 1 : i32
    %dma_start3A_13 = arith.constant 0 : i32
    %dma_start3A_14 = arith.constant 0 : i32
    %dma_start3A_15 = tpu.memref_slice %arg12[%dma_start3A_12, %dma_start3A_13, %dma_start3A_14] : memref<5x32x768xf32, #tpu.memory_space<vmem>> -> memref<1x32x768xf32, #tpu.memory_space<vmem>>
    %dma_start3A_16 = tpu.memref_squeeze %dma_start3A_15 : memref<1x32x768xf32, #tpu.memory_space<vmem>> -> memref<32x768xf32, #tpu.memory_space<vmem>>
    %dma_start3A_17 = arith.constant 32 : i32
    %dma_start3A_18 = tpu.memref_slice %arg8[%dma_start3A_17] : memref<256xi32, #tpu.memory_space<vmem>> -> memref<32xi32, #tpu.memory_space<vmem>>
    %dma_start3A_19 = arith.constant 0 : i32
    %dma_start3A_20 = arith.constant 0 : i32
    %dma_start3A_21 = tpu.memref_slice %arg4[%dma_start3A_19, %dma_start3A_20] : memref<32128x768xf32, #tpu.memory_space<hbm>> -> memref<32128x768xf32, #tpu.memory_space<hbm>>
    tpu.enqueue_indirect_dma source(%dma_start3A_21 : memref<32128x768xf32, #tpu.memory_space<hbm>>) target(%dma_start3A_16 : memref<32x768xf32, #tpu.memory_space<vmem>>) offsets(%dma_start3A_18 : memref<32xi32, #tpu.memory_space<vmem>>) semaphore(%arg13 : memref<!tpu.dma_semaphore, #tpu.memory_space<semaphore_mem>>)
    %dma_start3A_22 = arith.constant 2 : i32
    %dma_start3A_23 = arith.constant 0 : i32
    %dma_start3A_24 = arith.constant 0 : i32
    %dma_start3A_25 = tpu.memref_slice %arg12[%dma_start3A_22, %dma_start3A_23, %dma_start3A_24] : memref<5x32x768xf32, #tpu.memory_space<vmem>> -> memref<1x32x768xf32, #tpu.memory_space<vmem>>
    %dma_start3A_26 = tpu.memref_squeeze %dma_start3A_25 : memref<1x32x768xf32, #tpu.memory_space<vmem>> -> memref<32x768xf32, #tpu.memory_space<vmem>>
    %dma_start3A_27 = arith.constant 64 : i32
    %dma_start3A_28 = tpu.memref_slice %arg8[%dma_start3A_27] : memref<256xi32, #tpu.memory_space<vmem>> -> memref<32xi32, #tpu.memory_space<vmem>>
    %dma_start3A_29 = arith.constant 0 : i32
    %dma_start3A_30 = arith.constant 0 : i32
    %dma_start3A_31 = tpu.memref_slice %arg4[%dma_start3A_29, %dma_start3A_30] : memref<32128x768xf32, #tpu.memory_space<hbm>> -> memref<32128x768xf32, #tpu.memory_space<hbm>>
    tpu.enqueue_indirect_dma source(%dma_start3A_31 : memref<32128x768xf32, #tpu.memory_space<hbm>>) target(%dma_start3A_26 : memref<32x768xf32, #tpu.memory_space<vmem>>) offsets(%dma_start3A_28 : memref<32xi32, #tpu.memory_space<vmem>>) semaphore(%arg13 : memref<!tpu.dma_semaphore, #tpu.memory_space<semaphore_mem>>)
    %dma_start3A_32 = arith.constant 3 : i32
    %dma_start3A_33 = arith.constant 0 : i32
    %dma_start3A_34 = arith.constant 0 : i32
    %dma_start3A_35 = tpu.memref_slice %arg12[%dma_start3A_32, %dma_start3A_33, %dma_start3A_34] : memref<5x32x768xf32, #tpu.memory_space<vmem>> -> memref<1x32x768xf32, #tpu.memory_space<vmem>>
    %dma_start3A_36 = tpu.memref_squeeze %dma_start3A_35 : memref<1x32x768xf32, #tpu.memory_space<vmem>> -> memref<32x768xf32, #tpu.memory_space<vmem>>
    %dma_start3A_37 = arith.constant 96 : i32
    %dma_start3A_38 = tpu.memref_slice %arg8[%dma_start3A_37] : memref<256xi32, #tpu.memory_space<vmem>> -> memref<32xi32, #tpu.memory_space<vmem>>
    %dma_start3A_39 = arith.constant 0 : i32
    %dma_start3A_40 = arith.constant 0 : i32
    %dma_start3A_41 = tpu.memref_slice %arg4[%dma_start3A_39, %dma_start3A_40] : memref<32128x768xf32, #tpu.memory_space<hbm>> -> memref<32128x768xf32, #tpu.memory_space<hbm>>
    tpu.enqueue_indirect_dma source(%dma_start3A_41 : memref<32128x768xf32, #tpu.memory_space<hbm>>) target(%dma_start3A_36 : memref<32x768xf32, #tpu.memory_space<vmem>>) offsets(%dma_start3A_38 : memref<32xi32, #tpu.memory_space<vmem>>) semaphore(%arg13 : memref<!tpu.dma_semaphore, #tpu.memory_space<semaphore_mem>>)
    %dma_start3A_42 = arith.constant 4 : i32
    %dma_start3A_43 = arith.constant 0 : i32
    %dma_start3A_44 = arith.constant 0 : i32
    %dma_start3A_45 = tpu.memref_slice %arg12[%dma_start3A_42, %dma_start3A_43, %dma_start3A_44] : memref<5x32x768xf32, #tpu.memory_space<vmem>> -> memref<1x32x768xf32, #tpu.memory_space<vmem>>
    %dma_start3A_46 = tpu.memref_squeeze %dma_start3A_45 : memref<1x32x768xf32, #tpu.memory_space<vmem>> -> memref<32x768xf32, #tpu.memory_space<vmem>>
    %dma_start3A_47 = arith.constant 128 : i32
    %dma_start3A_48 = tpu.memref_slice %arg8[%dma_start3A_47] : memref<256xi32, #tpu.memory_space<vmem>> -> memref<32xi32, #tpu.memory_space<vmem>>
    %dma_start3A_49 = arith.constant 0 : i32
    %dma_start3A_50 = arith.constant 0 : i32
    %dma_start3A_51 = tpu.memref_slice %arg4[%dma_start3A_49, %dma_start3A_50] : memref<32128x768xf32, #tpu.memory_space<hbm>> -> memref<32128x768xf32, #tpu.memory_space<hbm>>
    tpu.enqueue_indirect_dma source(%dma_start3A_51 : memref<32128x768xf32, #tpu.memory_space<hbm>>) target(%dma_start3A_46 : memref<32x768xf32, #tpu.memory_space<vmem>>) offsets(%dma_start3A_48 : memref<32xi32, #tpu.memory_space<vmem>>) semaphore(%arg13 : memref<!tpu.dma_semaphore, #tpu.memory_space<semaphore_mem>>)
    "tpu.region"() ({
      %run_scoped3A = tpu.sem_alloc : memref<!tpu.dma_semaphore, #tpu.memory_space<semaphore_mem>>
      %dma_start3A_621 = tpu.memref_slice %arg3[%mul3A_2] : memref<8192xi32, #tpu.memory_space<hbm>> -> memref<256xi32, #tpu.memory_space<hbm>>
      %dma_start3A_622 = tpu.memref_slice %arg3[%mul3A_2] : memref<8192xi32, #tpu.memory_space<hbm>> -> memref<256xi32, #tpu.memory_space<hbm>>
      tpu.enqueue_dma source(%dma_start3A_622 : memref<256xi32, #tpu.memory_space<hbm>>) target(%arg9 : memref<256xi32, #tpu.memory_space<vmem>>) target_semaphore(%run_scoped3A : memref<!tpu.dma_semaphore, #tpu.memory_space<semaphore_mem>>)
      %dma_wait3A_623 = tpu.memref_slice %arg3[%mul3A_2] : memref<8192xi32, #tpu.memory_space<hbm>> -> memref<256xi32, #tpu.memory_space<hbm>>
      %dma_wait3A_624 = tpu.memref_slice %arg3[%mul3A_2] : memref<8192xi32, #tpu.memory_space<hbm>> -> memref<256xi32, #tpu.memory_space<hbm>>
      tpu.wait_dma2 semaphore(%run_scoped3A : memref<!tpu.dma_semaphore, #tpu.memory_space<semaphore_mem>>) src(%dma_wait3A_624 : memref<256xi32, #tpu.memory_space<hbm>>) dst(%arg9 : memref<256xi32, #tpu.memory_space<vmem>>)
      tpu.yield
    }) : () -> ()
    %get3A = arith.constant 0 : index
    %get3A_52 = tpu.vector_load %arg9[%get3A] {strides = array<i32>} : memref<256xi32, #tpu.memory_space<vmem>>, vector<16xi32>,
    %get3A_53 = vector.shape_cast %get3A_52 : vector<16xi32> to vector<16xi32>
    %convert_element_type3A = arith.sitofp %get3A_53 : vector<16xi32> to vector<16xf32>
    %sub3A = arith.constant 1.000000e+00 : f32
    %sub3A_54 = vector.broadcast %sub3A : f32 to vector<16xf32>
    %sub3A_55 = arith.subf %sub3A_54, %convert_element_type3A : vector<16xf32>
    %mul3A_56 = arith.constant -3.40282347E+38 : f32
    %mul3A_57 = vector.broadcast %mul3A_56 : f32 to vector<16xf32>
    %mul3A_58 = arith.mulf %sub3A_55, %mul3A_57 : vector<16xf32>
    %swap3A = arith.constant 0 : index
    %swap3A_59 = tpu.vector_load %arg10[%swap3A] {strides = array<i32>} : memref<256xf32, #tpu.memory_space<vmem>>, vector<16xf32>,
    %swap3A_60 = vector.shape_cast %swap3A_59 : vector<16xf32> to vector<16xf32>
    %swap3A_61 = vector.shape_cast %mul3A_58 : vector<16xf32> to vector<16xf32>
    tpu.vector_store %arg10[%swap3A], %swap3A_61 {strides = array<i32>} : memref<256xf32, #tpu.memory_space<vmem>>, vector<16xf32>,
    %get3A_62 = arith.constant 16 : index
    %get3A_63 = tpu.vector_load %arg9[%get3A_62] {strides = array<i32>} : memref<256xi32, #tpu.memory_space<vmem>>, vector<16xi32>,
    %get3A_64 = vector.shape_cast %get3A_63 : vector<16xi32> to vector<16xi32>
    %convert_element_type3A_65 = arith.sitofp %get3A_64 : vector<16xi32> to vector<16xf32>
    %sub3A_66 = arith.constant 1.000000e+00 : f32
    %sub3A_67 = vector.broadcast %sub3A_66 : f32 to vector<16xf32>
    %sub3A_68 = arith.subf %sub3A_67, %convert_element_type3A_65 : vector<16xf32>
    %mul3A_69 = arith.constant -3.40282347E+38 : f32
    %mul3A_70 = vector.broadcast %mul3A_69 : f32 to vector<16xf32>
    %mul3A_71 = arith.mulf %sub3A_68, %mul3A_70 : vector<16xf32>
    %swap3A_72 = arith.constant 16 : index
    %swap3A_73 = tpu.vector_load %arg10[%swap3A_72] {strides = array<i32>} : memref<256xf32, #tpu.memory_space<vmem>>, vector<16xf32>,
    %swap3A_74 = vector.shape_cast %swap3A_73 : vector<16xf32> to vector<16xf32>
    %swap3A_75 = vector.shape_cast %mul3A_71 : vector<16xf32> to vector<16xf32>
    tpu.vector_store %arg10[%swap3A_72], %swap3A_75 {strides = array<i32>} : memref<256xf32, #tpu.memory_space<vmem>>, vector<16xf32>,
    %get3A_76 = arith.constant 32 : index
    %get3A_77 = tpu.vector_load %arg9[%get3A_76] {strides = array<i32>} : memref<256xi32, #tpu.memory_space<vmem>>, vector<16xi32>,
    %get3A_78 = vector.shape_cast %get3A_77 : vector<16xi32> to vector<16xi32>
    %convert_element_type3A_79 = arith.sitofp %get3A_78 : vector<16xi32> to vector<16xf32>
    %sub3A_80 = arith.constant 1.000000e+00 : f32
    %sub3A_81 = vector.broadcast %sub3A_80 : f32 to vector<16xf32>
    %sub3A_82 = arith.subf %sub3A_81, %convert_element_type3A_79 : vector<16xf32>
    %mul3A_83 = arith.constant -3.40282347E+38 : f32
    %mul3A_84 = vector.broadcast %mul3A_83 : f32 to vector<16xf32>
    %mul3A_85 = arith.mulf %sub3A_82, %mul3A_84 : vector<16xf32>
    %swap3A_86 = arith.constant 32 : index
    %swap3A_87 = tpu.vector_load %arg10[%swap3A_86] {strides = array<i32>} : memref<256xf32, #tpu.memory_space<vmem>>, vector<16xf32>,
    %swap3A_88 = vector.shape_cast %swap3A_87 : vector<16xf32> to vector<16xf32>
    %swap3A_89 = vector.shape_cast %mul3A_85 : vector<16xf32> to vector<16xf32>
    tpu.vector_store %arg10[%swap3A_86], %swap3A_89 {strides = array<i32>} : memref<256xf32, #tpu.memory_space<vmem>>, vector<16xf32>,
    %get3A_90 = arith.constant 48 : index
    %get3A_91 = tpu.vector_load %arg9[%get3A_90] {strides = array<i32>} : memref<256xi32, #tpu.memory_space<vmem>>, vector<16xi32>,
    %get3A_92 = vector.shape_cast %get3A_91 : vector<16xi32> to vector<16xi32>
    %convert_element_type3A_93 = arith.sitofp %get3A_92 : vector<16xi32> to vector<16xf32>
    %sub3A_94 = arith.constant 1.000000e+00 : f32
    %sub3A_95 = vector.broadcast %sub3A_94 : f32 to vector<16xf32>
    %sub3A_96 = arith.subf %sub3A_95, %convert_element_type3A_93 : vector<16xf32>
    %mul3A_97 = arith.constant -3.40282347E+38 : f32
    %mul3A_98 = vector.broadcast %mul3A_97 : f32 to vector<16xf32>
    %mul3A_99 = arith.mulf %sub3A_96, %mul3A_98 : vector<16xf32>
    %swap3A_100 = arith.constant 48 : index
    %swap3A_101 = tpu.vector_load %arg10[%swap3A_100] {strides = array<i32>} : memref<256xf32, #tpu.memory_space<vmem>>, vector<16xf32>,
    %swap3A_102 = vector.shape_cast %swap3A_101 : vector<16xf32> to vector<16xf32>
    %swap3A_103 = vector.shape_cast %mul3A_99 : vector<16xf32> to vector<16xf32>
    tpu.vector_store %arg10[%swap3A_100], %swap3A_103 {strides = array<i32>} : memref<256xf32, #tpu.memory_space<vmem>>, vector<16xf32>,
    %get3A_104 = arith.constant 64 : index
    %get3A_105 = tpu.vector_load %arg9[%get3A_104] {strides = array<i32>} : memref<256xi32, #tpu.memory_space<vmem>>, vector<16xi32>,
    %get3A_106 = vector.shape_cast %get3A_105 : vector<16xi32> to vector<16xi32>
    %convert_element_type3A_107 = arith.sitofp %get3A_106 : vector<16xi32> to vector<16xf32>
    %sub3A_108 = arith.constant 1.000000e+00 : f32
    %sub3A_109 = vector.broadcast %sub3A_108 : f32 to vector<16xf32>
    %sub3A_110 = arith.subf %sub3A_109, %convert_element_type3A_107 : vector<16xf32>
    %mul3A_111 = arith.constant -3.40282347E+38 : f32
    %mul3A_112 = vector.broadcast %mul3A_111 : f32 to vector<16xf32>
    %mul3A_113 = arith.mulf %sub3A_110, %mul3A_112 : vector<16xf32>
    %swap3A_114 = arith.constant 64 : index
    %swap3A_115 = tpu.vector_load %arg10[%swap3A_114] {strides = array<i32>} : memref<256xf32, #tpu.memory_space<vmem>>, vector<16xf32>,
    %swap3A_116 = vector.shape_cast %swap3A_115 : vector<16xf32> to vector<16xf32>
    %swap3A_117 = vector.shape_cast %mul3A_113 : vector<16xf32> to vector<16xf32>
    tpu.vector_store %arg10[%swap3A_114], %swap3A_117 {strides = array<i32>} : memref<256xf32, #tpu.memory_space<vmem>>, vector<16xf32>,
    %get3A_118 = arith.constant 80 : index
    %get3A_119 = tpu.vector_load %arg9[%get3A_118] {strides = array<i32>} : memref<256xi32, #tpu.memory_space<vmem>>, vector<16xi32>,
    %get3A_120 = vector.shape_cast %get3A_119 : vector<16xi32> to vector<16xi32>
    %convert_element_type3A_121 = arith.sitofp %get3A_120 : vector<16xi32> to vector<16xf32>
    %sub3A_122 = arith.constant 1.000000e+00 : f32
    %sub3A_123 = vector.broadcast %sub3A_122 : f32 to vector<16xf32>
    %sub3A_124 = arith.subf %sub3A_123, %convert_element_type3A_121 : vector<16xf32>
    %mul3A_125 = arith.constant -3.40282347E+38 : f32
    %mul3A_126 = vector.broadcast %mul3A_125 : f32 to vector<16xf32>
    %mul3A_127 = arith.mulf %sub3A_124, %mul3A_126 : vector<16xf32>
    %swap3A_128 = arith.constant 80 : index
    %swap3A_129 = tpu.vector_load %arg10[%swap3A_128] {strides = array<i32>} : memref<256xf32, #tpu.memory_space<vmem>>, vector<16xf32>,
    %swap3A_130 = vector.shape_cast %swap3A_129 : vector<16xf32> to vector<16xf32>
    %swap3A_131 = vector.shape_cast %mul3A_127 : vector<16xf32> to vector<16xf32>
    tpu.vector_store %arg10[%swap3A_128], %swap3A_131 {strides = array<i32>} : memref<256xf32, #tpu.memory_space<vmem>>, vector<16xf32>,
    %get3A_132 = arith.constant 96 : index
    %get3A_133 = tpu.vector_load %arg9[%get3A_132] {strides = array<i32>} : memref<256xi32, #tpu.memory_space<vmem>>, vector<16xi32>,
    %get3A_134 = vector.shape_cast %get3A_133 : vector<16xi32> to vector<16xi32>
    %convert_element_type3A_135 = arith.sitofp %get3A_134 : vector<16xi32> to vector<16xf32>
    %sub3A_136 = arith.constant 1.000000e+00 : f32
    %sub3A_137 = vector.broadcast %sub3A_136 : f32 to vector<16xf32>
    %sub3A_138 = arith.subf %sub3A_137, %convert_element_type3A_135 : vector<16xf32>
    %mul3A_139 = arith.constant -3.40282347E+38 : f32
    %mul3A_140 = vector.broadcast %mul3A_139 : f32 to vector<16xf32>
    %mul3A_141 = arith.mulf %sub3A_138, %mul3A_140 : vector<16xf32>
    %swap3A_142 = arith.constant 96 : index
    %swap3A_143 = tpu.vector_load %arg10[%swap3A_142] {strides = array<i32>} : memref<256xf32, #tpu.memory_space<vmem>>, vector<16xf32>,
    %swap3A_144 = vector.shape_cast %swap3A_143 : vector<16xf32> to vector<16xf32>
    %swap3A_145 = vector.shape_cast %mul3A_141 : vector<16xf32> to vector<16xf32>
    tpu.vector_store %arg10[%swap3A_142], %swap3A_145 {strides = array<i32>} : memref<256xf32, #tpu.memory_space<vmem>>, vector<16xf32>,
    %get3A_146 = arith.constant 112 : index
    %get3A_147 = tpu.vector_load %arg9[%get3A_146] {strides = array<i32>} : memref<256xi32, #tpu.memory_space<vmem>>, vector<16xi32>,
    %get3A_148 = vector.shape_cast %get3A_147 : vector<16xi32> to vector<16xi32>
    %convert_element_type3A_149 = arith.sitofp %get3A_148 : vector<16xi32> to vector<16xf32>
    %sub3A_150 = arith.constant 1.000000e+00 : f32
    %sub3A_151 = vector.broadcast %sub3A_150 : f32 to vector<16xf32>
    %sub3A_152 = arith.subf %sub3A_151, %convert_element_type3A_149 : vector<16xf32>
    %mul3A_153 = arith.constant -3.40282347E+38 : f32
    %mul3A_154 = vector.broadcast %mul3A_153 : f32 to vector<16xf32>
    %mul3A_155 = arith.mulf %sub3A_152, %mul3A_154 : vector<16xf32>
    %swap3A_156 = arith.constant 112 : index
    %swap3A_157 = tpu.vector_load %arg10[%swap3A_156] {strides = array<i32>} : memref<256xf32, #tpu.memory_space<vmem>>, vector<16xf32>,
    %swap3A_158 = vector.shape_cast %swap3A_157 : vector<16xf32> to vector<16xf32>
    %swap3A_159 = vector.shape_cast %mul3A_155 : vector<16xf32> to vector<16xf32>
    tpu.vector_store %arg10[%swap3A_156], %swap3A_159 {strides = array<i32>} : memref<256xf32, #tpu.memory_space<vmem>>, vector<16xf32>,
    %get3A_160 = arith.constant 128 : index
    %get3A_161 = tpu.vector_load %arg9[%get3A_160] {strides = array<i32>} : memref<256xi32, #tpu.memory_space<vmem>>, vector<16xi32>,
    %get3A_162 = vector.shape_cast %get3A_161 : vector<16xi32> to vector<16xi32>
    %convert_element_type3A_163 = arith.sitofp %get3A_162 : vector<16xi32> to vector<16xf32>
    %sub3A_164 = arith.constant 1.000000e+00 : f32
    %sub3A_165 = vector.broadcast %sub3A_164 : f32 to vector<16xf32>
    %sub3A_166 = arith.subf %sub3A_165, %convert_element_type3A_163 : vector<16xf32>
    %mul3A_167 = arith.constant -3.40282347E+38 : f32
    %mul3A_168 = vector.broadcast %mul3A_167 : f32 to vector<16xf32>
    %mul3A_169 = arith.mulf %sub3A_166, %mul3A_168 : vector<16xf32>
    %swap3A_170 = arith.constant 128 : index
    %swap3A_171 = tpu.vector_load %arg10[%swap3A_170] {strides = array<i32>} : memref<256xf32, #tpu.memory_space<vmem>>, vector<16xf32>,
    %swap3A_172 = vector.shape_cast %swap3A_171 : vector<16xf32> to vector<16xf32>
    %swap3A_173 = vector.shape_cast %mul3A_169 : vector<16xf32> to vector<16xf32>
    tpu.vector_store %arg10[%swap3A_170], %swap3A_173 {strides = array<i32>} : memref<256xf32, #tpu.memory_space<vmem>>, vector<16xf32>,
    %get3A_174 = arith.constant 144 : index
    %get3A_175 = tpu.vector_load %arg9[%get3A_174] {strides = array<i32>} : memref<256xi32, #tpu.memory_space<vmem>>, vector<16xi32>,
    %get3A_176 = vector.shape_cast %get3A_175 : vector<16xi32> to vector<16xi32>
    %convert_element_type3A_177 = arith.sitofp %get3A_176 : vector<16xi32> to vector<16xf32>
    %sub3A_178 = arith.constant 1.000000e+00 : f32
    %sub3A_179 = vector.broadcast %sub3A_178 : f32 to vector<16xf32>
    %sub3A_180 = arith.subf %sub3A_179, %convert_element_type3A_177 : vector<16xf32>
    %mul3A_181 = arith.constant -3.40282347E+38 : f32
    %mul3A_182 = vector.broadcast %mul3A_181 : f32 to vector<16xf32>
    %mul3A_183 = arith.mulf %sub3A_180, %mul3A_182 : vector<16xf32>
    %swap3A_184 = arith.constant 144 : index
    %swap3A_185 = tpu.vector_load %arg10[%swap3A_184] {strides = array<i32>} : memref<256xf32, #tpu.memory_space<vmem>>, vector<16xf32>,
    %swap3A_186 = vector.shape_cast %swap3A_185 : vector<16xf32> to vector<16xf32>
    %swap3A_187 = vector.shape_cast %mul3A_183 : vector<16xf32> to vector<16xf32>
    tpu.vector_store %arg10[%swap3A_184], %swap3A_187 {strides = array<i32>} : memref<256xf32, #tpu.memory_space<vmem>>, vector<16xf32>,
    %get3A_188 = arith.constant 160 : index
    %get3A_189 = tpu.vector_load %arg9[%get3A_188] {strides = array<i32>} : memref<256xi32, #tpu.memory_space<vmem>>, vector<16xi32>,
    %get3A_190 = vector.shape_cast %get3A_189 : vector<16xi32> to vector<16xi32>
    %convert_element_type3A_191 = arith.sitofp %get3A_190 : vector<16xi32> to vector<16xf32>
    %sub3A_192 = arith.constant 1.000000e+00 : f32
    %sub3A_193 = vector.broadcast %sub3A_192 : f32 to vector<16xf32>
    %sub3A_194 = arith.subf %sub3A_193, %convert_element_type3A_191 : vector<16xf32>
    %mul3A_195 = arith.constant -3.40282347E+38 : f32
    %mul3A_196 = vector.broadcast %mul3A_195 : f32 to vector<16xf32>
    %mul3A_197 = arith.mulf %sub3A_194, %mul3A_196 : vector<16xf32>
    %swap3A_198 = arith.constant 160 : index
    %swap3A_199 = tpu.vector_load %arg10[%swap3A_198] {strides = array<i32>} : memref<256xf32, #tpu.memory_space<vmem>>, vector<16xf32>,
    %swap3A_200 = vector.shape_cast %swap3A_199 : vector<16xf32> to vector<16xf32>
    %swap3A_201 = vector.shape_cast %mul3A_197 : vector<16xf32> to vector<16xf32>
    tpu.vector_store %arg10[%swap3A_198], %swap3A_201 {strides = array<i32>} : memref<256xf32, #tpu.memory_space<vmem>>, vector<16xf32>,
    %get3A_202 = arith.constant 176 : index
    %get3A_203 = tpu.vector_load %arg9[%get3A_202] {strides = array<i32>} : memref<256xi32, #tpu.memory_space<vmem>>, vector<16xi32>,
    %get3A_204 = vector.shape_cast %get3A_203 : vector<16xi32> to vector<16xi32>
    %convert_element_type3A_205 = arith.sitofp %get3A_204 : vector<16xi32> to vector<16xf32>
    %sub3A_206 = arith.constant 1.000000e+00 : f32
    %sub3A_207 = vector.broadcast %sub3A_206 : f32 to vector<16xf32>
    %sub3A_208 = arith.subf %sub3A_207, %convert_element_type3A_205 : vector<16xf32>
    %mul3A_209 = arith.constant -3.40282347E+38 : f32
    %mul3A_210 = vector.broadcast %mul3A_209 : f32 to vector<16xf32>
    %mul3A_211 = arith.mulf %sub3A_208, %mul3A_210 : vector<16xf32>
    %swap3A_212 = arith.constant 176 : index
    %swap3A_213 = tpu.vector_load %arg10[%swap3A_212] {strides = array<i32>} : memref<256xf32, #tpu.memory_space<vmem>>, vector<16xf32>,
    %swap3A_214 = vector.shape_cast %swap3A_213 : vector<16xf32> to vector<16xf32>
    %swap3A_215 = vector.shape_cast %mul3A_211 : vector<16xf32> to vector<16xf32>
    tpu.vector_store %arg10[%swap3A_212], %swap3A_215 {strides = array<i32>} : memref<256xf32, #tpu.memory_space<vmem>>, vector<16xf32>,
    %get3A_216 = arith.constant 192 : index
    %get3A_217 = tpu.vector_load %arg9[%get3A_216] {strides = array<i32>} : memref<256xi32, #tpu.memory_space<vmem>>, vector<16xi32>,
    %get3A_218 = vector.shape_cast %get3A_217 : vector<16xi32> to vector<16xi32>
    %convert_element_type3A_219 = arith.sitofp %get3A_218 : vector<16xi32> to vector<16xf32>
    %sub3A_220 = arith.constant 1.000000e+00 : f32
    %sub3A_221 = vector.broadcast %sub3A_220 : f32 to vector<16xf32>
    %sub3A_222 = arith.subf %sub3A_221, %convert_element_type3A_219 : vector<16xf32>
    %mul3A_223 = arith.constant -3.40282347E+38 : f32
    %mul3A_224 = vector.broadcast %mul3A_223 : f32 to vector<16xf32>
    %mul3A_225 = arith.mulf %sub3A_222, %mul3A_224 : vector<16xf32>
    %swap3A_226 = arith.constant 192 : index
    %swap3A_227 = tpu.vector_load %arg10[%swap3A_226] {strides = array<i32>} : memref<256xf32, #tpu.memory_space<vmem>>, vector<16xf32>,
    %swap3A_228 = vector.shape_cast %swap3A_227 : vector<16xf32> to vector<16xf32>
    %swap3A_229 = vector.shape_cast %mul3A_225 : vector<16xf32> to vector<16xf32>
    tpu.vector_store %arg10[%swap3A_226], %swap3A_229 {strides = array<i32>} : memref<256xf32, #tpu.memory_space<vmem>>, vector<16xf32>,
    %get3A_230 = arith.constant 208 : index
    %get3A_231 = tpu.vector_load %arg9[%get3A_230] {strides = array<i32>} : memref<256xi32, #tpu.memory_space<vmem>>, vector<16xi32>,
    %get3A_232 = vector.shape_cast %get3A_231 : vector<16xi32> to vector<16xi32>
    %convert_element_type3A_233 = arith.sitofp %get3A_232 : vector<16xi32> to vector<16xf32>
    %sub3A_234 = arith.constant 1.000000e+00 : f32
    %sub3A_235 = vector.broadcast %sub3A_234 : f32 to vector<16xf32>
    %sub3A_236 = arith.subf %sub3A_235, %convert_element_type3A_233 : vector<16xf32>
    %mul3A_237 = arith.constant -3.40282347E+38 : f32
    %mul3A_238 = vector.broadcast %mul3A_237 : f32 to vector<16xf32>
    %mul3A_239 = arith.mulf %sub3A_236, %mul3A_238 : vector<16xf32>
    %swap3A_240 = arith.constant 208 : index
    %swap3A_241 = tpu.vector_load %arg10[%swap3A_240] {strides = array<i32>} : memref<256xf32, #tpu.memory_space<vmem>>, vector<16xf32>,
    %swap3A_242 = vector.shape_cast %swap3A_241 : vector<16xf32> to vector<16xf32>
    %swap3A_243 = vector.shape_cast %mul3A_239 : vector<16xf32> to vector<16xf32>
    tpu.vector_store %arg10[%swap3A_240], %swap3A_243 {strides = array<i32>} : memref<256xf32, #tpu.memory_space<vmem>>, vector<16xf32>,
    %get3A_244 = arith.constant 224 : index
    %get3A_245 = tpu.vector_load %arg9[%get3A_244] {strides = array<i32>} : memref<256xi32, #tpu.memory_space<vmem>>, vector<16xi32>,
    %get3A_246 = vector.shape_cast %get3A_245 : vector<16xi32> to vector<16xi32>
    %convert_element_type3A_247 = arith.sitofp %get3A_246 : vector<16xi32> to vector<16xf32>
    %sub3A_248 = arith.constant 1.000000e+00 : f32
    %sub3A_249 = vector.broadcast %sub3A_248 : f32 to vector<16xf32>
    %sub3A_250 = arith.subf %sub3A_249, %convert_element_type3A_247 : vector<16xf32>
    %mul3A_251 = arith.constant -3.40282347E+38 : f32
    %mul3A_252 = vector.broadcast %mul3A_251 : f32 to vector<16xf32>
    %mul3A_253 = arith.mulf %sub3A_250, %mul3A_252 : vector<16xf32>
    %swap3A_254 = arith.constant 224 : index
    %swap3A_255 = tpu.vector_load %arg10[%swap3A_254] {strides = array<i32>} : memref<256xf32, #tpu.memory_space<vmem>>, vector<16xf32>,
    %swap3A_256 = vector.shape_cast %swap3A_255 : vector<16xf32> to vector<16xf32>
    %swap3A_257 = vector.shape_cast %mul3A_253 : vector<16xf32> to vector<16xf32>
    tpu.vector_store %arg10[%swap3A_254], %swap3A_257 {strides = array<i32>} : memref<256xf32, #tpu.memory_space<vmem>>, vector<16xf32>,
    %get3A_258 = arith.constant 240 : index
    %get3A_259 = tpu.vector_load %arg9[%get3A_258] {strides = array<i32>} : memref<256xi32, #tpu.memory_space<vmem>>, vector<16xi32>,
    %get3A_260 = vector.shape_cast %get3A_259 : vector<16xi32> to vector<16xi32>
    %convert_element_type3A_261 = arith.sitofp %get3A_260 : vector<16xi32> to vector<16xf32>
    %sub3A_262 = arith.constant 1.000000e+00 : f32
    %sub3A_263 = vector.broadcast %sub3A_262 : f32 to vector<16xf32>
    %sub3A_264 = arith.subf %sub3A_263, %convert_element_type3A_261 : vector<16xf32>
    %mul3A_265 = arith.constant -3.40282347E+38 : f32
    %mul3A_266 = vector.broadcast %mul3A_265 : f32 to vector<16xf32>
    %mul3A_267 = arith.mulf %sub3A_264, %mul3A_266 : vector<16xf32>
    %swap3A_268 = arith.constant 240 : index
    %swap3A_269 = tpu.vector_load %arg10[%swap3A_268] {strides = array<i32>} : memref<256xf32, #tpu.memory_space<vmem>>, vector<16xf32>,
    %swap3A_270 = vector.shape_cast %swap3A_269 : vector<16xf32> to vector<16xf32>
    %swap3A_271 = vector.shape_cast %mul3A_267 : vector<16xf32> to vector<16xf32>
    tpu.vector_store %arg10[%swap3A_268], %swap3A_271 {strides = array<i32>} : memref<256xf32, #tpu.memory_space<vmem>>, vector<16xf32>,
    %dma_start3A_272 = tpu.memref_slice %arg6[%mul3A_2] : memref<8192xf32, #tpu.memory_space<hbm>> -> memref<256xf32, #tpu.memory_space<hbm>>
    %dma_start3A_273 = tpu.memref_slice %arg6[%mul3A_2] : memref<8192xf32, #tpu.memory_space<hbm>> -> memref<256xf32, #tpu.memory_space<hbm>>
    tpu.enqueue_dma source(%arg10 : memref<256xf32, #tpu.memory_space<vmem>>) target(%dma_start3A_273 : memref<256xf32, #tpu.memory_space<hbm>>) target_semaphore(%arg15 : memref<!tpu.dma_semaphore, #tpu.memory_space<semaphore_mem>>)
    %broadcast_in_dim3A = arith.constant 0.000000e+00 : f32
    %broadcast_in_dim3A_274 = vector.broadcast %broadcast_in_dim3A : f32 to vector<16xf32>
    %scan3A = arith.constant 0 : i32
    %scan3A_275 = arith.constant 0 : i32
    %scan3A_276 = arith.constant 192 : i32
    %scan3A_277 = arith.addi %scan3A_275, %scan3A_276 : i32
    %scan3A_278 = arith.constant 1 : i32
    scf.for %scan3A_621 = %scan3A_275 to %scan3A_277 step %scan3A_278  : i32 {
      %mul3A_622 = arith.constant 16 : i32
      %mul3A_623 = arith.muli %scan3A_621, %mul3A_622 : i32
      %swap3A_624 = arith.index_cast %mul3A_623 : i32 to index
      %swap3A_625 = tpu.vector_load %arg11[%swap3A_624] {strides = array<i32>} : memref<3072xf32, #tpu.memory_space<vmem>>, vector<16xf32>,
      %swap3A_626 = vector.shape_cast %swap3A_625 : vector<16xf32> to vector<16xf32>
      %swap3A_627 = vector.shape_cast %broadcast_in_dim3A_274 : vector<16xf32> to vector<16xf32>
      tpu.vector_store %arg11[%swap3A_624], %swap3A_627 {strides = array<i32>} : memref<3072xf32, #tpu.memory_space<vmem>>, vector<16xf32>,
    }
    %scan3A_279 = arith.constant 192 : i32
    %mul3A_280 = arith.constant 3072 : i32
    %mul3A_281 = arith.muli %add3A, %mul3A_280 : i32
    %dma_start3A_282 = tpu.memref_slice %arg7[%mul3A_281] : memref<98304xf32, #tpu.memory_space<hbm>> -> memref<3072xf32, #tpu.memory_space<hbm>>
    %dma_start3A_283 = tpu.memref_slice %arg7[%mul3A_281] : memref<98304xf32, #tpu.memory_space<hbm>> -> memref<3072xf32, #tpu.memory_space<hbm>>
    tpu.enqueue_dma source(%arg11 : memref<3072xf32, #tpu.memory_space<vmem>>) target(%dma_start3A_283 : memref<3072xf32, #tpu.memory_space<hbm>>) target_semaphore(%arg15 : memref<!tpu.dma_semaphore, #tpu.memory_space<semaphore_mem>>)
    %dma_wait3A = arith.constant 0 : i32
    %dma_wait3A_284 = arith.constant 0 : i32
    %dma_wait3A_285 = arith.constant 0 : i32
    %dma_wait3A_286 = tpu.memref_slice %arg12[%dma_wait3A, %dma_wait3A_284, %dma_wait3A_285] : memref<5x32x768xf32, #tpu.memory_space<vmem>> -> memref<1x32x768xf32, #tpu.memory_space<vmem>>
    %dma_wait3A_287 = tpu.memref_squeeze %dma_wait3A_286 : memref<1x32x768xf32, #tpu.memory_space<vmem>> -> memref<32x768xf32, #tpu.memory_space<vmem>>
    %dma_wait3A_288 = arith.constant 0 : i32
    %dma_wait3A_289 = tpu.memref_slice %arg8[%dma_wait3A_288] : memref<256xi32, #tpu.memory_space<vmem>> -> memref<32xi32, #tpu.memory_space<vmem>>
    %dma_wait3A_290 = arith.constant 0 : i32
    %dma_wait3A_291 = arith.constant 0 : i32
    %dma_wait3A_292 = tpu.memref_slice %arg4[%dma_wait3A_290, %dma_wait3A_291] : memref<32128x768xf32, #tpu.memory_space<hbm>> -> memref<32128x768xf32, #tpu.memory_space<hbm>>
    tpu.wait_indirect_dma semaphore(%arg13 : memref<!tpu.dma_semaphore, #tpu.memory_space<semaphore_mem>>) src(%dma_wait3A_292 : memref<32128x768xf32, #tpu.memory_space<hbm>>) dst(%dma_wait3A_287 : memref<32x768xf32, #tpu.memory_space<vmem>>)
    %add3A_293 = arith.constant 0 : i32
    %add3A_294 = arith.addi %mul3A_2, %add3A_293 : i32
    %dma_start3A_295 = arith.constant 0 : i32
    %dma_start3A_296 = arith.constant 0 : i32
    %dma_start3A_297 = arith.constant 0 : i32
    %dma_start3A_298 = tpu.memref_slice %arg12[%dma_start3A_295, %dma_start3A_296, %dma_start3A_297] : memref<5x32x768xf32, #tpu.memory_space<vmem>> -> memref<1x32x768xf32, #tpu.memory_space<vmem>>
    %dma_start3A_299 = tpu.memref_squeeze %dma_start3A_298 : memref<1x32x768xf32, #tpu.memory_space<vmem>> -> memref<32x768xf32, #tpu.memory_space<vmem>>
    %dma_start3A_300 = arith.constant 0 : i32
    %dma_start3A_301 = tpu.memref_slice %arg5[%add3A_294, %dma_start3A_300] : memref<8192x768xf32, #tpu.memory_space<hbm>> -> memref<32x768xf32, #tpu.memory_space<hbm>>
    %dma_start3A_302 = arith.constant 0 : i32
    %dma_start3A_303 = tpu.memref_slice %arg5[%add3A_294, %dma_start3A_302] : memref<8192x768xf32, #tpu.memory_space<hbm>> -> memref<32x768xf32, #tpu.memory_space<hbm>>
    %dma_start3A_304 = arith.constant 0 : i32
    %dma_start3A_305 = arith.constant 0 : i32
    %dma_start3A_306 = tpu.memref_slice %arg12[%dma_start3A_295, %dma_start3A_304, %dma_start3A_305] : memref<5x32x768xf32, #tpu.memory_space<vmem>> -> memref<1x32x768xf32, #tpu.memory_space<vmem>>
    %dma_start3A_307 = tpu.memref_squeeze %dma_start3A_306 : memref<1x32x768xf32, #tpu.memory_space<vmem>> -> memref<32x768xf32, #tpu.memory_space<vmem>>
    tpu.enqueue_dma source(%dma_start3A_307 : memref<32x768xf32, #tpu.memory_space<vmem>>) target(%dma_start3A_303 : memref<32x768xf32, #tpu.memory_space<hbm>>) target_semaphore(%arg14 : memref<!tpu.dma_semaphore, #tpu.memory_space<semaphore_mem>>)
    %dma_wait3A_308 = arith.constant 1 : i32
    %dma_wait3A_309 = arith.constant 0 : i32
    %dma_wait3A_310 = arith.constant 0 : i32
    %dma_wait3A_311 = tpu.memref_slice %arg12[%dma_wait3A_308, %dma_wait3A_309, %dma_wait3A_310] : memref<5x32x768xf32, #tpu.memory_space<vmem>> -> memref<1x32x768xf32, #tpu.memory_space<vmem>>
    %dma_wait3A_312 = tpu.memref_squeeze %dma_wait3A_311 : memref<1x32x768xf32, #tpu.memory_space<vmem>> -> memref<32x768xf32, #tpu.memory_space<vmem>>
    %dma_wait3A_313 = arith.constant 32 : i32
    %dma_wait3A_314 = tpu.memref_slice %arg8[%dma_wait3A_313] : memref<256xi32, #tpu.memory_space<vmem>> -> memref<32xi32, #tpu.memory_space<vmem>>
    %dma_wait3A_315 = arith.constant 0 : i32
    %dma_wait3A_316 = arith.constant 0 : i32
    %dma_wait3A_317 = tpu.memref_slice %arg4[%dma_wait3A_315, %dma_wait3A_316] : memref<32128x768xf32, #tpu.memory_space<hbm>> -> memref<32128x768xf32, #tpu.memory_space<hbm>>
    tpu.wait_indirect_dma semaphore(%arg13 : memref<!tpu.dma_semaphore, #tpu.memory_space<semaphore_mem>>) src(%dma_wait3A_317 : memref<32128x768xf32, #tpu.memory_space<hbm>>) dst(%dma_wait3A_312 : memref<32x768xf32, #tpu.memory_space<vmem>>)
    %add3A_318 = arith.constant 32 : i32
    %add3A_319 = arith.addi %mul3A_2, %add3A_318 : i32
    %dma_start3A_320 = arith.constant 1 : i32
    %dma_start3A_321 = arith.constant 0 : i32
    %dma_start3A_322 = arith.constant 0 : i32
    %dma_start3A_323 = tpu.memref_slice %arg12[%dma_start3A_320, %dma_start3A_321, %dma_start3A_322] : memref<5x32x768xf32, #tpu.memory_space<vmem>> -> memref<1x32x768xf32, #tpu.memory_space<vmem>>
    %dma_start3A_324 = tpu.memref_squeeze %dma_start3A_323 : memref<1x32x768xf32, #tpu.memory_space<vmem>> -> memref<32x768xf32, #tpu.memory_space<vmem>>
    %dma_start3A_325 = arith.constant 0 : i32
    %dma_start3A_326 = tpu.memref_slice %arg5[%add3A_319, %dma_start3A_325] : memref<8192x768xf32, #tpu.memory_space<hbm>> -> memref<32x768xf32, #tpu.memory_space<hbm>>
    %dma_start3A_327 = arith.constant 0 : i32
    %dma_start3A_328 = tpu.memref_slice %arg5[%add3A_319, %dma_start3A_327] : memref<8192x768xf32, #tpu.memory_space<hbm>> -> memref<32x768xf32, #tpu.memory_space<hbm>>
    %dma_start3A_329 = arith.constant 0 : i32
    %dma_start3A_330 = arith.constant 0 : i32
    %dma_start3A_331 = tpu.memref_slice %arg12[%dma_start3A_320, %dma_start3A_329, %dma_start3A_330] : memref<5x32x768xf32, #tpu.memory_space<vmem>> -> memref<1x32x768xf32, #tpu.memory_space<vmem>>
    %dma_start3A_332 = tpu.memref_squeeze %dma_start3A_331 : memref<1x32x768xf32, #tpu.memory_space<vmem>> -> memref<32x768xf32, #tpu.memory_space<vmem>>
    tpu.enqueue_dma source(%dma_start3A_332 : memref<32x768xf32, #tpu.memory_space<vmem>>) target(%dma_start3A_328 : memref<32x768xf32, #tpu.memory_space<hbm>>) target_semaphore(%arg14 : memref<!tpu.dma_semaphore, #tpu.memory_space<semaphore_mem>>)
    %dma_wait3A_333 = arith.constant 2 : i32
    %dma_wait3A_334 = arith.constant 0 : i32
    %dma_wait3A_335 = arith.constant 0 : i32
    %dma_wait3A_336 = tpu.memref_slice %arg12[%dma_wait3A_333, %dma_wait3A_334, %dma_wait3A_335] : memref<5x32x768xf32, #tpu.memory_space<vmem>> -> memref<1x32x768xf32, #tpu.memory_space<vmem>>
    %dma_wait3A_337 = tpu.memref_squeeze %dma_wait3A_336 : memref<1x32x768xf32, #tpu.memory_space<vmem>> -> memref<32x768xf32, #tpu.memory_space<vmem>>
    %dma_wait3A_338 = arith.constant 64 : i32
    %dma_wait3A_339 = tpu.memref_slice %arg8[%dma_wait3A_338] : memref<256xi32, #tpu.memory_space<vmem>> -> memref<32xi32, #tpu.memory_space<vmem>>
    %dma_wait3A_340 = arith.constant 0 : i32
    %dma_wait3A_341 = arith.constant 0 : i32
    %dma_wait3A_342 = tpu.memref_slice %arg4[%dma_wait3A_340, %dma_wait3A_341] : memref<32128x768xf32, #tpu.memory_space<hbm>> -> memref<32128x768xf32, #tpu.memory_space<hbm>>
    tpu.wait_indirect_dma semaphore(%arg13 : memref<!tpu.dma_semaphore, #tpu.memory_space<semaphore_mem>>) src(%dma_wait3A_342 : memref<32128x768xf32, #tpu.memory_space<hbm>>) dst(%dma_wait3A_337 : memref<32x768xf32, #tpu.memory_space<vmem>>)
    %add3A_343 = arith.constant 64 : i32
    %add3A_344 = arith.addi %mul3A_2, %add3A_343 : i32
    %dma_start3A_345 = arith.constant 2 : i32
    %dma_start3A_346 = arith.constant 0 : i32
    %dma_start3A_347 = arith.constant 0 : i32
    %dma_start3A_348 = tpu.memref_slice %arg12[%dma_start3A_345, %dma_start3A_346, %dma_start3A_347] : memref<5x32x768xf32, #tpu.memory_space<vmem>> -> memref<1x32x768xf32, #tpu.memory_space<vmem>>
    %dma_start3A_349 = tpu.memref_squeeze %dma_start3A_348 : memref<1x32x768xf32, #tpu.memory_space<vmem>> -> memref<32x768xf32, #tpu.memory_space<vmem>>
    %dma_start3A_350 = arith.constant 0 : i32
    %dma_start3A_351 = tpu.memref_slice %arg5[%add3A_344, %dma_start3A_350] : memref<8192x768xf32, #tpu.memory_space<hbm>> -> memref<32x768xf32, #tpu.memory_space<hbm>>
    %dma_start3A_352 = arith.constant 0 : i32
    %dma_start3A_353 = tpu.memref_slice %arg5[%add3A_344, %dma_start3A_352] : memref<8192x768xf32, #tpu.memory_space<hbm>> -> memref<32x768xf32, #tpu.memory_space<hbm>>
    %dma_start3A_354 = arith.constant 0 : i32
    %dma_start3A_355 = arith.constant 0 : i32
    %dma_start3A_356 = tpu.memref_slice %arg12[%dma_start3A_345, %dma_start3A_354, %dma_start3A_355] : memref<5x32x768xf32, #tpu.memory_space<vmem>> -> memref<1x32x768xf32, #tpu.memory_space<vmem>>
    %dma_start3A_357 = tpu.memref_squeeze %dma_start3A_356 : memref<1x32x768xf32, #tpu.memory_space<vmem>> -> memref<32x768xf32, #tpu.memory_space<vmem>>
    tpu.enqueue_dma source(%dma_start3A_357 : memref<32x768xf32, #tpu.memory_space<vmem>>) target(%dma_start3A_353 : memref<32x768xf32, #tpu.memory_space<hbm>>) target_semaphore(%arg14 : memref<!tpu.dma_semaphore, #tpu.memory_space<semaphore_mem>>)
    %dma_wait3A_358 = arith.constant 0 : i32
    %dma_wait3A_359 = arith.constant 0 : i32
    %dma_wait3A_360 = arith.constant 0 : i32
    %dma_wait3A_361 = tpu.memref_slice %arg12[%dma_wait3A_358, %dma_wait3A_359, %dma_wait3A_360] : memref<5x32x768xf32, #tpu.memory_space<vmem>> -> memref<1x32x768xf32, #tpu.memory_space<vmem>>
    %dma_wait3A_362 = tpu.memref_squeeze %dma_wait3A_361 : memref<1x32x768xf32, #tpu.memory_space<vmem>> -> memref<32x768xf32, #tpu.memory_space<vmem>>
    %dma_wait3A_363 = arith.constant 0 : i32
    %dma_wait3A_364 = tpu.memref_slice %arg5[%add3A_294, %dma_wait3A_363] : memref<8192x768xf32, #tpu.memory_space<hbm>> -> memref<32x768xf32, #tpu.memory_space<hbm>>
    %dma_wait3A_365 = arith.constant 0 : i32
    %dma_wait3A_366 = tpu.memref_slice %arg5[%add3A_294, %dma_wait3A_365] : memref<8192x768xf32, #tpu.memory_space<hbm>> -> memref<32x768xf32, #tpu.memory_space<hbm>>
    %dma_wait3A_367 = arith.constant 0 : i32
    %dma_wait3A_368 = arith.constant 0 : i32
    %dma_wait3A_369 = tpu.memref_slice %arg12[%dma_wait3A_358, %dma_wait3A_367, %dma_wait3A_368] : memref<5x32x768xf32, #tpu.memory_space<vmem>> -> memref<1x32x768xf32, #tpu.memory_space<vmem>>
    %dma_wait3A_370 = tpu.memref_squeeze %dma_wait3A_369 : memref<1x32x768xf32, #tpu.memory_space<vmem>> -> memref<32x768xf32, #tpu.memory_space<vmem>>
    tpu.wait_dma2 semaphore(%arg14 : memref<!tpu.dma_semaphore, #tpu.memory_space<semaphore_mem>>) src(%dma_wait3A_370 : memref<32x768xf32, #tpu.memory_space<vmem>>) dst(%dma_wait3A_366 : memref<32x768xf32, #tpu.memory_space<hbm>>)
    %dma_start3A_371 = arith.constant 0 : i32
    %dma_start3A_372 = arith.constant 0 : i32
    %dma_start3A_373 = arith.constant 0 : i32
    %dma_start3A_374 = tpu.memref_slice %arg12[%dma_start3A_371, %dma_start3A_372, %dma_start3A_373] : memref<5x32x768xf32, #tpu.memory_space<vmem>> -> memref<1x32x768xf32, #tpu.memory_space<vmem>>
    %dma_start3A_375 = tpu.memref_squeeze %dma_start3A_374 : memref<1x32x768xf32, #tpu.memory_space<vmem>> -> memref<32x768xf32, #tpu.memory_space<vmem>>
    %dma_start3A_376 = arith.constant 160 : i32
    %dma_start3A_377 = tpu.memref_slice %arg8[%dma_start3A_376] : memref<256xi32, #tpu.memory_space<vmem>> -> memref<32xi32, #tpu.memory_space<vmem>>
    %dma_start3A_378 = arith.constant 0 : i32
    %dma_start3A_379 = arith.constant 0 : i32
    %dma_start3A_380 = tpu.memref_slice %arg4[%dma_start3A_378, %dma_start3A_379] : memref<32128x768xf32, #tpu.memory_space<hbm>> -> memref<32128x768xf32, #tpu.memory_space<hbm>>
    tpu.enqueue_indirect_dma source(%dma_start3A_380 : memref<32128x768xf32, #tpu.memory_space<hbm>>) target(%dma_start3A_375 : memref<32x768xf32, #tpu.memory_space<vmem>>) offsets(%dma_start3A_377 : memref<32xi32, #tpu.memory_space<vmem>>) semaphore(%arg13 : memref<!tpu.dma_semaphore, #tpu.memory_space<semaphore_mem>>)
    %dma_wait3A_381 = arith.constant 3 : i32
    %dma_wait3A_382 = arith.constant 0 : i32
    %dma_wait3A_383 = arith.constant 0 : i32
    %dma_wait3A_384 = tpu.memref_slice %arg12[%dma_wait3A_381, %dma_wait3A_382, %dma_wait3A_383] : memref<5x32x768xf32, #tpu.memory_space<vmem>> -> memref<1x32x768xf32, #tpu.memory_space<vmem>>
    %dma_wait3A_385 = tpu.memref_squeeze %dma_wait3A_384 : memref<1x32x768xf32, #tpu.memory_space<vmem>> -> memref<32x768xf32, #tpu.memory_space<vmem>>
    %dma_wait3A_386 = arith.constant 96 : i32
    %dma_wait3A_387 = tpu.memref_slice %arg8[%dma_wait3A_386] : memref<256xi32, #tpu.memory_space<vmem>> -> memref<32xi32, #tpu.memory_space<vmem>>
    %dma_wait3A_388 = arith.constant 0 : i32
    %dma_wait3A_389 = arith.constant 0 : i32
    %dma_wait3A_390 = tpu.memref_slice %arg4[%dma_wait3A_388, %dma_wait3A_389] : memref<32128x768xf32, #tpu.memory_space<hbm>> -> memref<32128x768xf32, #tpu.memory_space<hbm>>
    tpu.wait_indirect_dma semaphore(%arg13 : memref<!tpu.dma_semaphore, #tpu.memory_space<semaphore_mem>>) src(%dma_wait3A_390 : memref<32128x768xf32, #tpu.memory_space<hbm>>) dst(%dma_wait3A_385 : memref<32x768xf32, #tpu.memory_space<vmem>>)
    %add3A_391 = arith.constant 96 : i32
    %add3A_392 = arith.addi %mul3A_2, %add3A_391 : i32
    %dma_start3A_393 = arith.constant 3 : i32
    %dma_start3A_394 = arith.constant 0 : i32
    %dma_start3A_395 = arith.constant 0 : i32
    %dma_start3A_396 = tpu.memref_slice %arg12[%dma_start3A_393, %dma_start3A_394, %dma_start3A_395] : memref<5x32x768xf32, #tpu.memory_space<vmem>> -> memref<1x32x768xf32, #tpu.memory_space<vmem>>
    %dma_start3A_397 = tpu.memref_squeeze %dma_start3A_396 : memref<1x32x768xf32, #tpu.memory_space<vmem>> -> memref<32x768xf32, #tpu.memory_space<vmem>>
    %dma_start3A_398 = arith.constant 0 : i32
    %dma_start3A_399 = tpu.memref_slice %arg5[%add3A_392, %dma_start3A_398] : memref<8192x768xf32, #tpu.memory_space<hbm>> -> memref<32x768xf32, #tpu.memory_space<hbm>>
    %dma_start3A_400 = arith.constant 0 : i32
    %dma_start3A_401 = tpu.memref_slice %arg5[%add3A_392, %dma_start3A_400] : memref<8192x768xf32, #tpu.memory_space<hbm>> -> memref<32x768xf32, #tpu.memory_space<hbm>>
    %dma_start3A_402 = arith.constant 0 : i32
    %dma_start3A_403 = arith.constant 0 : i32
    %dma_start3A_404 = tpu.memref_slice %arg12[%dma_start3A_393, %dma_start3A_402, %dma_start3A_403] : memref<5x32x768xf32, #tpu.memory_space<vmem>> -> memref<1x32x768xf32, #tpu.memory_space<vmem>>
    %dma_start3A_405 = tpu.memref_squeeze %dma_start3A_404 : memref<1x32x768xf32, #tpu.memory_space<vmem>> -> memref<32x768xf32, #tpu.memory_space<vmem>>
    tpu.enqueue_dma source(%dma_start3A_405 : memref<32x768xf32, #tpu.memory_space<vmem>>) target(%dma_start3A_401 : memref<32x768xf32, #tpu.memory_space<hbm>>) target_semaphore(%arg14 : memref<!tpu.dma_semaphore, #tpu.memory_space<semaphore_mem>>)
    %dma_wait3A_406 = arith.constant 1 : i32
    %dma_wait3A_407 = arith.constant 0 : i32
    %dma_wait3A_408 = arith.constant 0 : i32
    %dma_wait3A_409 = tpu.memref_slice %arg12[%dma_wait3A_406, %dma_wait3A_407, %dma_wait3A_408] : memref<5x32x768xf32, #tpu.memory_space<vmem>> -> memref<1x32x768xf32, #tpu.memory_space<vmem>>
    %dma_wait3A_410 = tpu.memref_squeeze %dma_wait3A_409 : memref<1x32x768xf32, #tpu.memory_space<vmem>> -> memref<32x768xf32, #tpu.memory_space<vmem>>
    %dma_wait3A_411 = arith.constant 0 : i32
    %dma_wait3A_412 = tpu.memref_slice %arg5[%add3A_319, %dma_wait3A_411] : memref<8192x768xf32, #tpu.memory_space<hbm>> -> memref<32x768xf32, #tpu.memory_space<hbm>>
    %dma_wait3A_413 = arith.constant 0 : i32
    %dma_wait3A_414 = tpu.memref_slice %arg5[%add3A_319, %dma_wait3A_413] : memref<8192x768xf32, #tpu.memory_space<hbm>> -> memref<32x768xf32, #tpu.memory_space<hbm>>
    %dma_wait3A_415 = arith.constant 0 : i32
    %dma_wait3A_416 = arith.constant 0 : i32
    %dma_wait3A_417 = tpu.memref_slice %arg12[%dma_wait3A_406, %dma_wait3A_415, %dma_wait3A_416] : memref<5x32x768xf32, #tpu.memory_space<vmem>> -> memref<1x32x768xf32, #tpu.memory_space<vmem>>
    %dma_wait3A_418 = tpu.memref_squeeze %dma_wait3A_417 : memref<1x32x768xf32, #tpu.memory_space<vmem>> -> memref<32x768xf32, #tpu.memory_space<vmem>>
    tpu.wait_dma2 semaphore(%arg14 : memref<!tpu.dma_semaphore, #tpu.memory_space<semaphore_mem>>) src(%dma_wait3A_418 : memref<32x768xf32, #tpu.memory_space<vmem>>) dst(%dma_wait3A_414 : memref<32x768xf32, #tpu.memory_space<hbm>>)
    %dma_start3A_419 = arith.constant 1 : i32
    %dma_start3A_420 = arith.constant 0 : i32
    %dma_start3A_421 = arith.constant 0 : i32
    %dma_start3A_422 = tpu.memref_slice %arg12[%dma_start3A_419, %dma_start3A_420, %dma_start3A_421] : memref<5x32x768xf32, #tpu.memory_space<vmem>> -> memref<1x32x768xf32, #tpu.memory_space<vmem>>
    %dma_start3A_423 = tpu.memref_squeeze %dma_start3A_422 : memref<1x32x768xf32, #tpu.memory_space<vmem>> -> memref<32x768xf32, #tpu.memory_space<vmem>>
    %dma_start3A_424 = arith.constant 192 : i32
    %dma_start3A_425 = tpu.memref_slice %arg8[%dma_start3A_424] : memref<256xi32, #tpu.memory_space<vmem>> -> memref<32xi32, #tpu.memory_space<vmem>>
    %dma_start3A_426 = arith.constant 0 : i32
    %dma_start3A_427 = arith.constant 0 : i32
    %dma_start3A_428 = tpu.memref_slice %arg4[%dma_start3A_426, %dma_start3A_427] : memref<32128x768xf32, #tpu.memory_space<hbm>> -> memref<32128x768xf32, #tpu.memory_space<hbm>>
    tpu.enqueue_indirect_dma source(%dma_start3A_428 : memref<32128x768xf32, #tpu.memory_space<hbm>>) target(%dma_start3A_423 : memref<32x768xf32, #tpu.memory_space<vmem>>) offsets(%dma_start3A_425 : memref<32xi32, #tpu.memory_space<vmem>>) semaphore(%arg13 : memref<!tpu.dma_semaphore, #tpu.memory_space<semaphore_mem>>)
    %dma_wait3A_429 = arith.constant 4 : i32
    %dma_wait3A_430 = arith.constant 0 : i32
    %dma_wait3A_431 = arith.constant 0 : i32
    %dma_wait3A_432 = tpu.memref_slice %arg12[%dma_wait3A_429, %dma_wait3A_430, %dma_wait3A_431] : memref<5x32x768xf32, #tpu.memory_space<vmem>> -> memref<1x32x768xf32, #tpu.memory_space<vmem>>
    %dma_wait3A_433 = tpu.memref_squeeze %dma_wait3A_432 : memref<1x32x768xf32, #tpu.memory_space<vmem>> -> memref<32x768xf32, #tpu.memory_space<vmem>>
    %dma_wait3A_434 = arith.constant 128 : i32
    %dma_wait3A_435 = tpu.memref_slice %arg8[%dma_wait3A_434] : memref<256xi32, #tpu.memory_space<vmem>> -> memref<32xi32, #tpu.memory_space<vmem>>
    %dma_wait3A_436 = arith.constant 0 : i32
    %dma_wait3A_437 = arith.constant 0 : i32
    %dma_wait3A_438 = tpu.memref_slice %arg4[%dma_wait3A_436, %dma_wait3A_437] : memref<32128x768xf32, #tpu.memory_space<hbm>> -> memref<32128x768xf32, #tpu.memory_space<hbm>>
    tpu.wait_indirect_dma semaphore(%arg13 : memref<!tpu.dma_semaphore, #tpu.memory_space<semaphore_mem>>) src(%dma_wait3A_438 : memref<32128x768xf32, #tpu.memory_space<hbm>>) dst(%dma_wait3A_433 : memref<32x768xf32, #tpu.memory_space<vmem>>)
    %add3A_439 = arith.constant 128 : i32
    %add3A_440 = arith.addi %mul3A_2, %add3A_439 : i32
    %dma_start3A_441 = arith.constant 4 : i32
    %dma_start3A_442 = arith.constant 0 : i32
    %dma_start3A_443 = arith.constant 0 : i32
    %dma_start3A_444 = tpu.memref_slice %arg12[%dma_start3A_441, %dma_start3A_442, %dma_start3A_443] : memref<5x32x768xf32, #tpu.memory_space<vmem>> -> memref<1x32x768xf32, #tpu.memory_space<vmem>>
    %dma_start3A_445 = tpu.memref_squeeze %dma_start3A_444 : memref<1x32x768xf32, #tpu.memory_space<vmem>> -> memref<32x768xf32, #tpu.memory_space<vmem>>
    %dma_start3A_446 = arith.constant 0 : i32
    %dma_start3A_447 = tpu.memref_slice %arg5[%add3A_440, %dma_start3A_446] : memref<8192x768xf32, #tpu.memory_space<hbm>> -> memref<32x768xf32, #tpu.memory_space<hbm>>
    %dma_start3A_448 = arith.constant 0 : i32
    %dma_start3A_449 = tpu.memref_slice %arg5[%add3A_440, %dma_start3A_448] : memref<8192x768xf32, #tpu.memory_space<hbm>> -> memref<32x768xf32, #tpu.memory_space<hbm>>
    %dma_start3A_450 = arith.constant 0 : i32
    %dma_start3A_451 = arith.constant 0 : i32
    %dma_start3A_452 = tpu.memref_slice %arg12[%dma_start3A_441, %dma_start3A_450, %dma_start3A_451] : memref<5x32x768xf32, #tpu.memory_space<vmem>> -> memref<1x32x768xf32, #tpu.memory_space<vmem>>
    %dma_start3A_453 = tpu.memref_squeeze %dma_start3A_452 : memref<1x32x768xf32, #tpu.memory_space<vmem>> -> memref<32x768xf32, #tpu.memory_space<vmem>>
    tpu.enqueue_dma source(%dma_start3A_453 : memref<32x768xf32, #tpu.memory_space<vmem>>) target(%dma_start3A_449 : memref<32x768xf32, #tpu.memory_space<hbm>>) target_semaphore(%arg14 : memref<!tpu.dma_semaphore, #tpu.memory_space<semaphore_mem>>)
    %dma_wait3A_454 = arith.constant 2 : i32
    %dma_wait3A_455 = arith.constant 0 : i32
    %dma_wait3A_456 = arith.constant 0 : i32
    %dma_wait3A_457 = tpu.memref_slice %arg12[%dma_wait3A_454, %dma_wait3A_455, %dma_wait3A_456] : memref<5x32x768xf32, #tpu.memory_space<vmem>> -> memref<1x32x768xf32, #tpu.memory_space<vmem>>
    %dma_wait3A_458 = tpu.memref_squeeze %dma_wait3A_457 : memref<1x32x768xf32, #tpu.memory_space<vmem>> -> memref<32x768xf32, #tpu.memory_space<vmem>>
    %dma_wait3A_459 = arith.constant 0 : i32
    %dma_wait3A_460 = tpu.memref_slice %arg5[%add3A_344, %dma_wait3A_459] : memref<8192x768xf32, #tpu.memory_space<hbm>> -> memref<32x768xf32, #tpu.memory_space<hbm>>
    %dma_wait3A_461 = arith.constant 0 : i32
    %dma_wait3A_462 = tpu.memref_slice %arg5[%add3A_344, %dma_wait3A_461] : memref<8192x768xf32, #tpu.memory_space<hbm>> -> memref<32x768xf32, #tpu.memory_space<hbm>>
    %dma_wait3A_463 = arith.constant 0 : i32
    %dma_wait3A_464 = arith.constant 0 : i32
    %dma_wait3A_465 = tpu.memref_slice %arg12[%dma_wait3A_454, %dma_wait3A_463, %dma_wait3A_464] : memref<5x32x768xf32, #tpu.memory_space<vmem>> -> memref<1x32x768xf32, #tpu.memory_space<vmem>>
    %dma_wait3A_466 = tpu.memref_squeeze %dma_wait3A_465 : memref<1x32x768xf32, #tpu.memory_space<vmem>> -> memref<32x768xf32, #tpu.memory_space<vmem>>
    tpu.wait_dma2 semaphore(%arg14 : memref<!tpu.dma_semaphore, #tpu.memory_space<semaphore_mem>>) src(%dma_wait3A_466 : memref<32x768xf32, #tpu.memory_space<vmem>>) dst(%dma_wait3A_462 : memref<32x768xf32, #tpu.memory_space<hbm>>)
    %dma_start3A_467 = arith.constant 2 : i32
    %dma_start3A_468 = arith.constant 0 : i32
    %dma_start3A_469 = arith.constant 0 : i32
    %dma_start3A_470 = tpu.memref_slice %arg12[%dma_start3A_467, %dma_start3A_468, %dma_start3A_469] : memref<5x32x768xf32, #tpu.memory_space<vmem>> -> memref<1x32x768xf32, #tpu.memory_space<vmem>>
    %dma_start3A_471 = tpu.memref_squeeze %dma_start3A_470 : memref<1x32x768xf32, #tpu.memory_space<vmem>> -> memref<32x768xf32, #tpu.memory_space<vmem>>
    %dma_start3A_472 = arith.constant 224 : i32
    %dma_start3A_473 = tpu.memref_slice %arg8[%dma_start3A_472] : memref<256xi32, #tpu.memory_space<vmem>> -> memref<32xi32, #tpu.memory_space<vmem>>
    %dma_start3A_474 = arith.constant 0 : i32
    %dma_start3A_475 = arith.constant 0 : i32
    %dma_start3A_476 = tpu.memref_slice %arg4[%dma_start3A_474, %dma_start3A_475] : memref<32128x768xf32, #tpu.memory_space<hbm>> -> memref<32128x768xf32, #tpu.memory_space<hbm>>
    tpu.enqueue_indirect_dma source(%dma_start3A_476 : memref<32128x768xf32, #tpu.memory_space<hbm>>) target(%dma_start3A_471 : memref<32x768xf32, #tpu.memory_space<vmem>>) offsets(%dma_start3A_473 : memref<32xi32, #tpu.memory_space<vmem>>) semaphore(%arg13 : memref<!tpu.dma_semaphore, #tpu.memory_space<semaphore_mem>>)
    %dma_wait3A_477 = arith.constant 0 : i32
    %dma_wait3A_478 = arith.constant 0 : i32
    %dma_wait3A_479 = arith.constant 0 : i32
    %dma_wait3A_480 = tpu.memref_slice %arg12[%dma_wait3A_477, %dma_wait3A_478, %dma_wait3A_479] : memref<5x32x768xf32, #tpu.memory_space<vmem>> -> memref<1x32x768xf32, #tpu.memory_space<vmem>>
    %dma_wait3A_481 = tpu.memref_squeeze %dma_wait3A_480 : memref<1x32x768xf32, #tpu.memory_space<vmem>> -> memref<32x768xf32, #tpu.memory_space<vmem>>
    %dma_wait3A_482 = arith.constant 160 : i32
    %dma_wait3A_483 = tpu.memref_slice %arg8[%dma_wait3A_482] : memref<256xi32, #tpu.memory_space<vmem>> -> memref<32xi32, #tpu.memory_space<vmem>>
    %dma_wait3A_484 = arith.constant 0 : i32
    %dma_wait3A_485 = arith.constant 0 : i32
    %dma_wait3A_486 = tpu.memref_slice %arg4[%dma_wait3A_484, %dma_wait3A_485] : memref<32128x768xf32, #tpu.memory_space<hbm>> -> memref<32128x768xf32, #tpu.memory_space<hbm>>
    tpu.wait_indirect_dma semaphore(%arg13 : memref<!tpu.dma_semaphore, #tpu.memory_space<semaphore_mem>>) src(%dma_wait3A_486 : memref<32128x768xf32, #tpu.memory_space<hbm>>) dst(%dma_wait3A_481 : memref<32x768xf32, #tpu.memory_space<vmem>>)
    %add3A_487 = arith.constant 160 : i32
    %add3A_488 = arith.addi %mul3A_2, %add3A_487 : i32
    %dma_start3A_489 = arith.constant 0 : i32
    %dma_start3A_490 = arith.constant 0 : i32
    %dma_start3A_491 = arith.constant 0 : i32
    %dma_start3A_492 = tpu.memref_slice %arg12[%dma_start3A_489, %dma_start3A_490, %dma_start3A_491] : memref<5x32x768xf32, #tpu.memory_space<vmem>> -> memref<1x32x768xf32, #tpu.memory_space<vmem>>
    %dma_start3A_493 = tpu.memref_squeeze %dma_start3A_492 : memref<1x32x768xf32, #tpu.memory_space<vmem>> -> memref<32x768xf32, #tpu.memory_space<vmem>>
    %dma_start3A_494 = arith.constant 0 : i32
    %dma_start3A_495 = tpu.memref_slice %arg5[%add3A_488, %dma_start3A_494] : memref<8192x768xf32, #tpu.memory_space<hbm>> -> memref<32x768xf32, #tpu.memory_space<hbm>>
    %dma_start3A_496 = arith.constant 0 : i32
    %dma_start3A_497 = tpu.memref_slice %arg5[%add3A_488, %dma_start3A_496] : memref<8192x768xf32, #tpu.memory_space<hbm>> -> memref<32x768xf32, #tpu.memory_space<hbm>>
    %dma_start3A_498 = arith.constant 0 : i32
    %dma_start3A_499 = arith.constant 0 : i32
    %dma_start3A_500 = tpu.memref_slice %arg12[%dma_start3A_489, %dma_start3A_498, %dma_start3A_499] : memref<5x32x768xf32, #tpu.memory_space<vmem>> -> memref<1x32x768xf32, #tpu.memory_space<vmem>>
    %dma_start3A_501 = tpu.memref_squeeze %dma_start3A_500 : memref<1x32x768xf32, #tpu.memory_space<vmem>> -> memref<32x768xf32, #tpu.memory_space<vmem>>
    tpu.enqueue_dma source(%dma_start3A_501 : memref<32x768xf32, #tpu.memory_space<vmem>>) target(%dma_start3A_497 : memref<32x768xf32, #tpu.memory_space<hbm>>) target_semaphore(%arg14 : memref<!tpu.dma_semaphore, #tpu.memory_space<semaphore_mem>>)
    %dma_wait3A_502 = arith.constant 1 : i32
    %dma_wait3A_503 = arith.constant 0 : i32
    %dma_wait3A_504 = arith.constant 0 : i32
    %dma_wait3A_505 = tpu.memref_slice %arg12[%dma_wait3A_502, %dma_wait3A_503, %dma_wait3A_504] : memref<5x32x768xf32, #tpu.memory_space<vmem>> -> memref<1x32x768xf32, #tpu.memory_space<vmem>>
    %dma_wait3A_506 = tpu.memref_squeeze %dma_wait3A_505 : memref<1x32x768xf32, #tpu.memory_space<vmem>> -> memref<32x768xf32, #tpu.memory_space<vmem>>
    %dma_wait3A_507 = arith.constant 192 : i32
    %dma_wait3A_508 = tpu.memref_slice %arg8[%dma_wait3A_507] : memref<256xi32, #tpu.memory_space<vmem>> -> memref<32xi32, #tpu.memory_space<vmem>>
    %dma_wait3A_509 = arith.constant 0 : i32
    %dma_wait3A_510 = arith.constant 0 : i32
    %dma_wait3A_511 = tpu.memref_slice %arg4[%dma_wait3A_509, %dma_wait3A_510] : memref<32128x768xf32, #tpu.memory_space<hbm>> -> memref<32128x768xf32, #tpu.memory_space<hbm>>
    tpu.wait_indirect_dma semaphore(%arg13 : memref<!tpu.dma_semaphore, #tpu.memory_space<semaphore_mem>>) src(%dma_wait3A_511 : memref<32128x768xf32, #tpu.memory_space<hbm>>) dst(%dma_wait3A_506 : memref<32x768xf32, #tpu.memory_space<vmem>>)
    %add3A_512 = arith.constant 192 : i32
    %add3A_513 = arith.addi %mul3A_2, %add3A_512 : i32
    %dma_start3A_514 = arith.constant 1 : i32
    %dma_start3A_515 = arith.constant 0 : i32
    %dma_start3A_516 = arith.constant 0 : i32
    %dma_start3A_517 = tpu.memref_slice %arg12[%dma_start3A_514, %dma_start3A_515, %dma_start3A_516] : memref<5x32x768xf32, #tpu.memory_space<vmem>> -> memref<1x32x768xf32, #tpu.memory_space<vmem>>
    %dma_start3A_518 = tpu.memref_squeeze %dma_start3A_517 : memref<1x32x768xf32, #tpu.memory_space<vmem>> -> memref<32x768xf32, #tpu.memory_space<vmem>>
    %dma_start3A_519 = arith.constant 0 : i32
    %dma_start3A_520 = tpu.memref_slice %arg5[%add3A_513, %dma_start3A_519] : memref<8192x768xf32, #tpu.memory_space<hbm>> -> memref<32x768xf32, #tpu.memory_space<hbm>>
    %dma_start3A_521 = arith.constant 0 : i32
    %dma_start3A_522 = tpu.memref_slice %arg5[%add3A_513, %dma_start3A_521] : memref<8192x768xf32, #tpu.memory_space<hbm>> -> memref<32x768xf32, #tpu.memory_space<hbm>>
    %dma_start3A_523 = arith.constant 0 : i32
    %dma_start3A_524 = arith.constant 0 : i32
    %dma_start3A_525 = tpu.memref_slice %arg12[%dma_start3A_514, %dma_start3A_523, %dma_start3A_524] : memref<5x32x768xf32, #tpu.memory_space<vmem>> -> memref<1x32x768xf32, #tpu.memory_space<vmem>>
    %dma_start3A_526 = tpu.memref_squeeze %dma_start3A_525 : memref<1x32x768xf32, #tpu.memory_space<vmem>> -> memref<32x768xf32, #tpu.memory_space<vmem>>
    tpu.enqueue_dma source(%dma_start3A_526 : memref<32x768xf32, #tpu.memory_space<vmem>>) target(%dma_start3A_522 : memref<32x768xf32, #tpu.memory_space<hbm>>) target_semaphore(%arg14 : memref<!tpu.dma_semaphore, #tpu.memory_space<semaphore_mem>>)
    %dma_wait3A_527 = arith.constant 2 : i32
    %dma_wait3A_528 = arith.constant 0 : i32
    %dma_wait3A_529 = arith.constant 0 : i32
    %dma_wait3A_530 = tpu.memref_slice %arg12[%dma_wait3A_527, %dma_wait3A_528, %dma_wait3A_529] : memref<5x32x768xf32, #tpu.memory_space<vmem>> -> memref<1x32x768xf32, #tpu.memory_space<vmem>>
    %dma_wait3A_531 = tpu.memref_squeeze %dma_wait3A_530 : memref<1x32x768xf32, #tpu.memory_space<vmem>> -> memref<32x768xf32, #tpu.memory_space<vmem>>
    %dma_wait3A_532 = arith.constant 224 : i32
    %dma_wait3A_533 = tpu.memref_slice %arg8[%dma_wait3A_532] : memref<256xi32, #tpu.memory_space<vmem>> -> memref<32xi32, #tpu.memory_space<vmem>>
    %dma_wait3A_534 = arith.constant 0 : i32
    %dma_wait3A_535 = arith.constant 0 : i32
    %dma_wait3A_536 = tpu.memref_slice %arg4[%dma_wait3A_534, %dma_wait3A_535] : memref<32128x768xf32, #tpu.memory_space<hbm>> -> memref<32128x768xf32, #tpu.memory_space<hbm>>
    tpu.wait_indirect_dma semaphore(%arg13 : memref<!tpu.dma_semaphore, #tpu.memory_space<semaphore_mem>>) src(%dma_wait3A_536 : memref<32128x768xf32, #tpu.memory_space<hbm>>) dst(%dma_wait3A_531 : memref<32x768xf32, #tpu.memory_space<vmem>>)
    %add3A_537 = arith.constant 224 : i32
    %add3A_538 = arith.addi %mul3A_2, %add3A_537 : i32
    %dma_start3A_539 = arith.constant 2 : i32
    %dma_start3A_540 = arith.constant 0 : i32
    %dma_start3A_541 = arith.constant 0 : i32
    %dma_start3A_542 = tpu.memref_slice %arg12[%dma_start3A_539, %dma_start3A_540, %dma_start3A_541] : memref<5x32x768xf32, #tpu.memory_space<vmem>> -> memref<1x32x768xf32, #tpu.memory_space<vmem>>
    %dma_start3A_543 = tpu.memref_squeeze %dma_start3A_542 : memref<1x32x768xf32, #tpu.memory_space<vmem>> -> memref<32x768xf32, #tpu.memory_space<vmem>>
    %dma_start3A_544 = arith.constant 0 : i32
    %dma_start3A_545 = tpu.memref_slice %arg5[%add3A_538, %dma_start3A_544] : memref<8192x768xf32, #tpu.memory_space<hbm>> -> memref<32x768xf32, #tpu.memory_space<hbm>>
    %dma_start3A_546 = arith.constant 0 : i32
    %dma_start3A_547 = tpu.memref_slice %arg5[%add3A_538, %dma_start3A_546] : memref<8192x768xf32, #tpu.memory_space<hbm>> -> memref<32x768xf32, #tpu.memory_space<hbm>>
    %dma_start3A_548 = arith.constant 0 : i32
    %dma_start3A_549 = arith.constant 0 : i32
    %dma_start3A_550 = tpu.memref_slice %arg12[%dma_start3A_539, %dma_start3A_548, %dma_start3A_549] : memref<5x32x768xf32, #tpu.memory_space<vmem>> -> memref<1x32x768xf32, #tpu.memory_space<vmem>>
    %dma_start3A_551 = tpu.memref_squeeze %dma_start3A_550 : memref<1x32x768xf32, #tpu.memory_space<vmem>> -> memref<32x768xf32, #tpu.memory_space<vmem>>
    tpu.enqueue_dma source(%dma_start3A_551 : memref<32x768xf32, #tpu.memory_space<vmem>>) target(%dma_start3A_547 : memref<32x768xf32, #tpu.memory_space<hbm>>) target_semaphore(%arg14 : memref<!tpu.dma_semaphore, #tpu.memory_space<semaphore_mem>>)
    %dma_wait3A_552 = arith.constant 3 : i32
    %dma_wait3A_553 = arith.constant 0 : i32
    %dma_wait3A_554 = arith.constant 0 : i32
    %dma_wait3A_555 = tpu.memref_slice %arg12[%dma_wait3A_552, %dma_wait3A_553, %dma_wait3A_554] : memref<5x32x768xf32, #tpu.memory_space<vmem>> -> memref<1x32x768xf32, #tpu.memory_space<vmem>>
    %dma_wait3A_556 = tpu.memref_squeeze %dma_wait3A_555 : memref<1x32x768xf32, #tpu.memory_space<vmem>> -> memref<32x768xf32, #tpu.memory_space<vmem>>
    %dma_wait3A_557 = arith.constant 0 : i32
    %dma_wait3A_558 = tpu.memref_slice %arg5[%add3A_392, %dma_wait3A_557] : memref<8192x768xf32, #tpu.memory_space<hbm>> -> memref<32x768xf32, #tpu.memory_space<hbm>>
    %dma_wait3A_559 = arith.constant 0 : i32
    %dma_wait3A_560 = tpu.memref_slice %arg5[%add3A_392, %dma_wait3A_559] : memref<8192x768xf32, #tpu.memory_space<hbm>> -> memref<32x768xf32, #tpu.memory_space<hbm>>
    %dma_wait3A_561 = arith.constant 0 : i32
    %dma_wait3A_562 = arith.constant 0 : i32
    %dma_wait3A_563 = tpu.memref_slice %arg12[%dma_wait3A_552, %dma_wait3A_561, %dma_wait3A_562] : memref<5x32x768xf32, #tpu.memory_space<vmem>> -> memref<1x32x768xf32, #tpu.memory_space<vmem>>
    %dma_wait3A_564 = tpu.memref_squeeze %dma_wait3A_563 : memref<1x32x768xf32, #tpu.memory_space<vmem>> -> memref<32x768xf32, #tpu.memory_space<vmem>>
    tpu.wait_dma2 semaphore(%arg14 : memref<!tpu.dma_semaphore, #tpu.memory_space<semaphore_mem>>) src(%dma_wait3A_564 : memref<32x768xf32, #tpu.memory_space<vmem>>) dst(%dma_wait3A_560 : memref<32x768xf32, #tpu.memory_space<hbm>>)
    %dma_wait3A_565 = arith.constant 4 : i32
    %dma_wait3A_566 = arith.constant 0 : i32
    %dma_wait3A_567 = arith.constant 0 : i32
    %dma_wait3A_568 = tpu.memref_slice %arg12[%dma_wait3A_565, %dma_wait3A_566, %dma_wait3A_567] : memref<5x32x768xf32, #tpu.memory_space<vmem>> -> memref<1x32x768xf32, #tpu.memory_space<vmem>>
    %dma_wait3A_569 = tpu.memref_squeeze %dma_wait3A_568 : memref<1x32x768xf32, #tpu.memory_space<vmem>> -> memref<32x768xf32, #tpu.memory_space<vmem>>
    %dma_wait3A_570 = arith.constant 0 : i32
    %dma_wait3A_571 = tpu.memref_slice %arg5[%add3A_440, %dma_wait3A_570] : memref<8192x768xf32, #tpu.memory_space<hbm>> -> memref<32x768xf32, #tpu.memory_space<hbm>>
    %dma_wait3A_572 = arith.constant 0 : i32
    %dma_wait3A_573 = tpu.memref_slice %arg5[%add3A_440, %dma_wait3A_572] : memref<8192x768xf32, #tpu.memory_space<hbm>> -> memref<32x768xf32, #tpu.memory_space<hbm>>
    %dma_wait3A_574 = arith.constant 0 : i32
    %dma_wait3A_575 = arith.constant 0 : i32
    %dma_wait3A_576 = tpu.memref_slice %arg12[%dma_wait3A_565, %dma_wait3A_574, %dma_wait3A_575] : memref<5x32x768xf32, #tpu.memory_space<vmem>> -> memref<1x32x768xf32, #tpu.memory_space<vmem>>
    %dma_wait3A_577 = tpu.memref_squeeze %dma_wait3A_576 : memref<1x32x768xf32, #tpu.memory_space<vmem>> -> memref<32x768xf32, #tpu.memory_space<vmem>>
    tpu.wait_dma2 semaphore(%arg14 : memref<!tpu.dma_semaphore, #tpu.memory_space<semaphore_mem>>) src(%dma_wait3A_577 : memref<32x768xf32, #tpu.memory_space<vmem>>) dst(%dma_wait3A_573 : memref<32x768xf32, #tpu.memory_space<hbm>>)
    %dma_wait3A_578 = arith.constant 0 : i32
    %dma_wait3A_579 = arith.constant 0 : i32
    %dma_wait3A_580 = arith.constant 0 : i32
    %dma_wait3A_581 = tpu.memref_slice %arg12[%dma_wait3A_578, %dma_wait3A_579, %dma_wait3A_580] : memref<5x32x768xf32, #tpu.memory_space<vmem>> -> memref<1x32x768xf32, #tpu.memory_space<vmem>>
    %dma_wait3A_582 = tpu.memref_squeeze %dma_wait3A_581 : memref<1x32x768xf32, #tpu.memory_space<vmem>> -> memref<32x768xf32, #tpu.memory_space<vmem>>
    %dma_wait3A_583 = arith.constant 0 : i32
    %dma_wait3A_584 = tpu.memref_slice %arg5[%add3A_488, %dma_wait3A_583] : memref<8192x768xf32, #tpu.memory_space<hbm>> -> memref<32x768xf32, #tpu.memory_space<hbm>>
    %dma_wait3A_585 = arith.constant 0 : i32
    %dma_wait3A_586 = tpu.memref_slice %arg5[%add3A_488, %dma_wait3A_585] : memref<8192x768xf32, #tpu.memory_space<hbm>> -> memref<32x768xf32, #tpu.memory_space<hbm>>
    %dma_wait3A_587 = arith.constant 0 : i32
    %dma_wait3A_588 = arith.constant 0 : i32
    %dma_wait3A_589 = tpu.memref_slice %arg12[%dma_wait3A_578, %dma_wait3A_587, %dma_wait3A_588] : memref<5x32x768xf32, #tpu.memory_space<vmem>> -> memref<1x32x768xf32, #tpu.memory_space<vmem>>
    %dma_wait3A_590 = tpu.memref_squeeze %dma_wait3A_589 : memref<1x32x768xf32, #tpu.memory_space<vmem>> -> memref<32x768xf32, #tpu.memory_space<vmem>>
    tpu.wait_dma2 semaphore(%arg14 : memref<!tpu.dma_semaphore, #tpu.memory_space<semaphore_mem>>) src(%dma_wait3A_590 : memref<32x768xf32, #tpu.memory_space<vmem>>) dst(%dma_wait3A_586 : memref<32x768xf32, #tpu.memory_space<hbm>>)
    %dma_wait3A_591 = arith.constant 1 : i32
    %dma_wait3A_592 = arith.constant 0 : i32
    %dma_wait3A_593 = arith.constant 0 : i32
    %dma_wait3A_594 = tpu.memref_slice %arg12[%dma_wait3A_591, %dma_wait3A_592, %dma_wait3A_593] : memref<5x32x768xf32, #tpu.memory_space<vmem>> -> memref<1x32x768xf32, #tpu.memory_space<vmem>>
    %dma_wait3A_595 = tpu.memref_squeeze %dma_wait3A_594 : memref<1x32x768xf32, #tpu.memory_space<vmem>> -> memref<32x768xf32, #tpu.memory_space<vmem>>
    %dma_wait3A_596 = arith.constant 0 : i32
    %dma_wait3A_597 = tpu.memref_slice %arg5[%add3A_513, %dma_wait3A_596] : memref<8192x768xf32, #tpu.memory_space<hbm>> -> memref<32x768xf32, #tpu.memory_space<hbm>>
    %dma_wait3A_598 = arith.constant 0 : i32
    %dma_wait3A_599 = tpu.memref_slice %arg5[%add3A_513, %dma_wait3A_598] : memref<8192x768xf32, #tpu.memory_space<hbm>> -> memref<32x768xf32, #tpu.memory_space<hbm>>
    %dma_wait3A_600 = arith.constant 0 : i32
    %dma_wait3A_601 = arith.constant 0 : i32
    %dma_wait3A_602 = tpu.memref_slice %arg12[%dma_wait3A_591, %dma_wait3A_600, %dma_wait3A_601] : memref<5x32x768xf32, #tpu.memory_space<vmem>> -> memref<1x32x768xf32, #tpu.memory_space<vmem>>
    %dma_wait3A_603 = tpu.memref_squeeze %dma_wait3A_602 : memref<1x32x768xf32, #tpu.memory_space<vmem>> -> memref<32x768xf32, #tpu.memory_space<vmem>>
    tpu.wait_dma2 semaphore(%arg14 : memref<!tpu.dma_semaphore, #tpu.memory_space<semaphore_mem>>) src(%dma_wait3A_603 : memref<32x768xf32, #tpu.memory_space<vmem>>) dst(%dma_wait3A_599 : memref<32x768xf32, #tpu.memory_space<hbm>>)
    %dma_wait3A_604 = arith.constant 2 : i32
    %dma_wait3A_605 = arith.constant 0 : i32
    %dma_wait3A_606 = arith.constant 0 : i32
    %dma_wait3A_607 = tpu.memref_slice %arg12[%dma_wait3A_604, %dma_wait3A_605, %dma_wait3A_606] : memref<5x32x768xf32, #tpu.memory_space<vmem>> -> memref<1x32x768xf32, #tpu.memory_space<vmem>>
    %dma_wait3A_608 = tpu.memref_squeeze %dma_wait3A_607 : memref<1x32x768xf32, #tpu.memory_space<vmem>> -> memref<32x768xf32, #tpu.memory_space<vmem>>
    %dma_wait3A_609 = arith.constant 0 : i32
    %dma_wait3A_610 = tpu.memref_slice %arg5[%add3A_538, %dma_wait3A_609] : memref<8192x768xf32, #tpu.memory_space<hbm>> -> memref<32x768xf32, #tpu.memory_space<hbm>>
    %dma_wait3A_611 = arith.constant 0 : i32
    %dma_wait3A_612 = tpu.memref_slice %arg5[%add3A_538, %dma_wait3A_611] : memref<8192x768xf32, #tpu.memory_space<hbm>> -> memref<32x768xf32, #tpu.memory_space<hbm>>
    %dma_wait3A_613 = arith.constant 0 : i32
    %dma_wait3A_614 = arith.constant 0 : i32
    %dma_wait3A_615 = tpu.memref_slice %arg12[%dma_wait3A_604, %dma_wait3A_613, %dma_wait3A_614] : memref<5x32x768xf32, #tpu.memory_space<vmem>> -> memref<1x32x768xf32, #tpu.memory_space<vmem>>
    %dma_wait3A_616 = tpu.memref_squeeze %dma_wait3A_615 : memref<1x32x768xf32, #tpu.memory_space<vmem>> -> memref<32x768xf32, #tpu.memory_space<vmem>>
    tpu.wait_dma2 semaphore(%arg14 : memref<!tpu.dma_semaphore, #tpu.memory_space<semaphore_mem>>) src(%dma_wait3A_616 : memref<32x768xf32, #tpu.memory_space<vmem>>) dst(%dma_wait3A_612 : memref<32x768xf32, #tpu.memory_space<hbm>>)
    %dma_wait3A_617 = tpu.memref_slice %arg6[%mul3A_2] : memref<8192xf32, #tpu.memory_space<hbm>> -> memref<256xf32, #tpu.memory_space<hbm>>
    %dma_wait3A_618 = tpu.memref_slice %arg6[%mul3A_2] : memref<8192xf32, #tpu.memory_space<hbm>> -> memref<256xf32, #tpu.memory_space<hbm>>
    tpu.wait_dma2 semaphore(%arg15 : memref<!tpu.dma_semaphore, #tpu.memory_space<semaphore_mem>>) src(%arg10 : memref<256xf32, #tpu.memory_space<vmem>>) dst(%dma_wait3A_618 : memref<256xf32, #tpu.memory_space<hbm>>)
    %dma_wait3A_619 = tpu.memref_slice %arg7[%mul3A_281] : memref<98304xf32, #tpu.memory_space<hbm>> -> memref<3072xf32, #tpu.memory_space<hbm>>
    %dma_wait3A_620 = tpu.memref_slice %arg7[%mul3A_281] : memref<98304xf32, #tpu.memory_space<hbm>> -> memref<3072xf32, #tpu.memory_space<hbm>>
    tpu.wait_dma2 semaphore(%arg15 : memref<!tpu.dma_semaphore, #tpu.memory_space<semaphore_mem>>) src(%arg11 : memref<3072xf32, #tpu.memory_space<vmem>>) dst(%dma_wait3A_620 : memref<3072xf32, #tpu.memory_space<hbm>>)
    return
  }
}

</mosaic_0001>

<sc_bundles>
// kernel: kernel.3.cloned.1.call-start
scs
__scs_entry_jumppad:
0x0: {  	(pc) =	sbr.rel $0x88, $3  }
0x1: {  	(tag) =	ssettag $0x0;
	lr =	simm.s32 $0x1  }
0x2: {  	[smem:$0x3F9C] =	sst lr;
	_ =	strace $0xD0000000  }
0x3: {  	_ = 	snop  }
0x4: {  	_ = 	snop  }
0x5: {  	_ = 	snop  }
0x6: {  	_ = 	snop  }
0x7: {  	_ = 	snop  }
__scs_overlays_trampoline_lowered:
0x8: {  	[smem:$0x3FAB] =	sst s0  }
0x9: {  	[smem:$0x3FAC] =	sst s1  }
0xa: {  	[smem:$0x3FAD] =	sst s2  }
0xb: {  	[smem:$0x3FAE] =	sst s3  }
0xc: {  	[smem:$0x3FAF] =	sst s4  }
0xd: {  	[smem:$0x3FB0] =	sst s5  }
0xe: {  	[smem:$0x3FB1] =	sst s6  }
0xf: {  	[smem:$0x3FB2] =	sst s7  }
0x10: {  	[smem:$0x3FB3] =	sst s8  }
0x11: {  	[smem:$0x3FB4] =	sst s9;
	s0 =	simm.s32 @!p0 $0x0  }
0x12: {  	s1 =	sld [smem:$0x3F9A];
	s0 =	simm.s32 @p0 $0x1  }
0x13: {  	[smem:$0x3FB5] =	sst s0;
	s0 =	simm.s32 @!p1 $0x0  }
0x14: {  	s2 =	sld [smem:$0x3F99];
	s0 =	simm.s32 @p1 $0x1  }
0x15: {  	[smem:$0x3FB6] =	sst s0;
	s0 =	simm.s32 @!p2 $0x0  }
0x16: {  	s3 =	sld [smem:$0x3FDB];
	s0 =	simm.s32 @p2 $0x1  }
0x17: {  	s4 =	simm.s32 $0x1BF5;
	[smem:$0x3FB8] =	sst s0  }
0x18: {  	s0 =	sld [smem:$0x3F9B];
	_ =	swait.ge [sflag:s4], $0x0  }
0x19: {  	s7 =	sld [smem:$0x3F9C]  }
0x1a: {  	s8 =	sadd.s32 $0xFFFFE003, lr  }
0x1b: {  	s9 =	sadd.s32 $0xFFFFFEF7, lr;
	s5 =	simm.s32 $0xFFFFFFFF;
	p2 =	slt.u32 s8, $0xFFFFF086  }
0x1c: {  	p1 =	slt.u32 s9, $0xF7A;
	s5 =	simm.s32 @!p2 $0x0  }
0x1d: {  	s5 =	simm.s32 @p1 $0x1;
	p0 =	seq.s32 s7, s2  }
0x1e: {  	s7 =	smul.u32 @!p0 $0xF7A, s2;
	p2 =	seq.s32 @!p0 s5, $0x0  }
0x1f: {  	s9 =	smul.u32 $0xF7A, s1;
	s8 =	simm.s32 @!p0 $0x1BF5;
	p2 =	por !p2, p0  }
0x20: {  	[sflag:s8] =	ssyncset.s32 @!p0 $0xFFFFF086;
	s6 =	sadd.s32 @!p0 s3, s7;
	s7 =	simm.s32 @!p0 $0x108  }
0x21: {  	s3 =	sadd.s32 s3, s9;
	s6 =	sadd.s32 @!p0 $0x88, s6;
	s7 =	simm.s32 @p2 $0x1082  }
0x22: {  	[simem:s7], [sflag:s8] =	dma.local @!p0 [hbm:s6], $0xF7A  }
0x23: {  	s9 =	sor.u32 $0xD0000000, s2;
	s6 =	simm.s32 $0x108;
	_ =	swait.ge @!p0 [sflag:s8], $0x0  }
0x24: {  	s3 =	sadd.s32 $0x88, s3;
	s6 =	simm.s32 @!p1 $0x1082;
	[sflag:s4] =	ssyncset.s32 $0xFFFFF086  }
0x25: {  	[simem:s6], [sflag:s4] =	dma.local [hbm:s3], $0xF7A  }
0x26: {  	[smem:$0x3F9C] =	sst s1;
	(tag) =	ssettag s2;
	_ =	strace s9  }
0x27: {  	s1 =	sld [smem:$0x3FAC]  }
0x28: {  	s2 =	sld [smem:$0x3FAD]  }
0x29: {  	s4 =	sld [smem:$0x3FAF]  }
0x2a: {  	p0 =	seq.s32 s5, $0x0;
	s5 =	sld [smem:$0x3FB0]  }
0x2b: {  	s6 =	sld [smem:$0x3FB1]  }
0x2c: {  	s7 =	sld [smem:$0x3FB2]  }
0x2d: {  	s3 =	simm.s32 $0x108;
	s8 =	sld [smem:$0x3FB3]  }
0x2e: {  	s3 =	simm.s32 @!p0 $0x1082;
	s9 =	sld [smem:$0x3FB4]  }
0x2f: {  	lr =	sadd.s32 s0, s3;
	s0 =	sld [smem:$0x3FAB]  }
0x30: {  	s3 =	sld [smem:$0x3FAE]  }
0x31: {  	[smem:$0x3FB7] =	sst s10  }
0x32: {  	s10 =	sld [smem:$0x3FB5];
	_ =	sdelay $0x3  }
0x33: {  	p0 =	seq.s32 s10, $0x1;
	s10 =	sld [smem:$0x3FB7];
	_ =	sdelay $0x3  }
0x34: {  	[smem:$0x3FB7] =	sst s10  }
0x35: {  	s10 =	sld [smem:$0x3FB6];
	_ =	sdelay $0x3  }
0x36: {  	p1 =	seq.s32 s10, $0x1;
	s10 =	sld [smem:$0x3FB7];
	_ =	sdelay $0x3  }
0x37: {  	[smem:$0x3FB7] =	sst s10  }
0x38: {  	s10 =	sld [smem:$0x3FB8]  }
0x39: {  	_ = 	snop;
	(pc) =	sbr.ind lr, $3  }
0x3a: {  	_ = 	snop  }
0x3b: {  	_ = 	snop  }
0x3c: {  	p2 =	seq.s32 s10, $0x1;
	s10 =	sld [smem:$0x3FB7]  }
0x3d: {  	_ =	shalt  }
0x3e: {  	_ =	shalt  }
0x3f: {  	_ =	shalt  }
0x40: {  	_ =	shalt  }
0x41: {  	_ =	shalt  }
0x42: {  	_ =	shalt  }
0x43: {  	_ =	shalt  }
0x44: {  	_ =	shalt  }
0x45: {  	_ =	shalt  }
0x46: {  	_ =	shalt  }
0x47: {  	_ =	shalt  }
0x48: {  	_ =	shalt  }
0x49: {  	_ =	shalt  }
0x4a: {  	_ =	shalt  }
0x4b: {  	_ =	shalt  }
0x4c: {  	_ =	shalt  }
0x4d: {  	_ =	shalt  }
0x4e: {  	_ =	shalt  }
0x4f: {  	_ =	shalt  }
0x50: {  	_ =	shalt  }
0x51: {  	_ =	shalt  }
0x52: {  	_ =	shalt  }
0x53: {  	_ =	shalt  }
0x54: {  	_ =	shalt  }
0x55: {  	_ =	shalt  }
0x56: {  	_ =	shalt  }
0x57: {  	_ =	shalt  }
0x58: {  	_ =	shalt  }
0x59: {  	_ =	shalt  }
0x5a: {  	_ =	shalt  }
0x5b: {  	_ =	shalt  }
0x5c: {  	_ =	shalt  }
0x5d: {  	_ =	shalt  }
0x5e: {  	_ =	shalt  }
0x5f: {  	_ =	shalt  }
0x60: {  	_ =	shalt  }
0x61: {  	_ =	shalt  }
0x62: {  	_ =	shalt  }
0x63: {  	_ =	shalt  }
0x64: {  	_ =	shalt  }
0x65: {  	_ =	shalt  }
0x66: {  	_ =	shalt  }
0x67: {  	_ =	shalt  }
0x68: {  	_ =	shalt  }
0x69: {  	_ =	shalt  }
0x6a: {  	_ =	shalt  }
0x6b: {  	_ =	shalt  }
0x6c: {  	_ =	shalt  }
0x6d: {  	_ =	shalt  }
0x6e: {  	_ =	shalt  }
0x6f: {  	_ =	shalt  }
0x70: {  	_ =	shalt  }
0x71: {  	_ =	shalt  }
0x72: {  	_ =	shalt  }
0x73: {  	_ =	shalt  }
0x74: {  	_ =	shalt  }
0x75: {  	_ =	shalt  }
0x76: {  	_ =	shalt  }
0x77: {  	_ =	shalt  }
0x78: {  	_ =	shalt  }
0x79: {  	_ =	shalt  }
0x7a: {  	_ =	shalt  }
0x7b: {  	_ =	shalt  }
0x7c: {  	_ =	shalt  }
0x7d: {  	_ =	shalt  }
0x7e: {  	_ =	shalt  }
0x7f: {  	_ =	shalt  }
0x80: {  	_ =	shalt  }
0x81: {  	_ =	shalt  }
0x82: {  	_ =	shalt  }
0x83: {  	_ =	shalt  }
0x84: {  	_ =	shalt  }
0x85: {  	_ =	shalt  }
0x86: {  	_ =	shalt  }
0x87: {  	_ =	shalt  }
.Lfunc_end0:
.L_simem_size_0:
called_computation_lowered:
.L_overlay_start_0:
0x88: {  	s2 =	sld [smem:$0x3FD9]  }
0x89: {  	s3 =	sld [smem:$0x3FFE];
	_ =	sdelay $0x1  }
0x8a: {  	s1 =	srdreg.scid  }
0x8b: {  	s0 =	sand.u32 $0x1, s1  }
0x8c: {  	s15 =	sshll.u32 s0, $0xA;
	s2 =	sadd.s32 s3, s2  }
0x8d: {  	s2 =	sadd.s32 s2, s15  }
0x8e: {  	[smem:$0x3FC3] =	sst s2  }
0x8f: {  	_ = 	snop  }
0x90: {  	s2 =	sld [smem:$0x3FD0];
	_ =	sdelay $0x2  }
0x91: {  	s4 =	simm.s32 $0xA;
	s5 =	simm.s32 $0x10;
	s16 =	sld [smem:$0x3FC5]  }
0x92: {  	[smem:s5], [sflag:s4] =	dma.local [hbm:s2], $0x1  }
0x93: {  	_ =	swait.eq [sflag:s4], $0x1  }
0x94: {  	s17 =	sld [smem:$0x10]  }
0x95: {  	s18 =	sld [smem:$0x11]  }
0x96: {  	s6 =	sld [smem:$0x12];
	[sflag:s4] =	ssyncset.done $0x0  }
0x97: {  	s7 =	sld [smem:$0x14];
	[sflag:s4] =	ssyncadd.s32 $0xFFFFFFFF  }
0x98: {  	s19 =	sld [smem:$0x15];
	(tm) =	ssettm $0x1  }
0x99: {  	s8 =	sld [smem:$0x3FFB];
	_ =	sdelay $0x3  }
0x9a: {  	_ =	strace s8  }
0x9b: {  	s8 =	sld [smem:$0x3FFC];
	_ =	sdelay $0x3  }
0x9c: {  	_ =	strace s8  }
0x9d: {  	s8 =	sld [smem:$0x3FFD];
	_ =	sdelay $0x3  }
0x9e: {  	_ =	strace s8  }
0x9f: {  	_ =	strace $0x8FFFFFFF  }
0xa0: {  	s20 =	sld [smem:$0x3FDB];
	_ =	sdelay $0x1  }
0xa1: {  	s9 =	simm.s32 $_scs_section_size  }
0xa2: {  	s10 =	simm.s32 $_size__tile_overlayer_lowered;
	s11 =	simm.s32 $_tile_overlayer_lowered  }
0xa3: {  	s23 =	simm.s32 $0x1BFF;
	s22 =	sshll.u32 s11, $0x1;
	s8 =	sadd.s32 s9, s20  }
0xa4: {  	s12 =	simm.s32 $0x0;
	s21 =	sshll.u32 s10, $0x1;
	s10 =	sadd.s32 s22, s8  }
0xa5: {  	[timem:s12], [sflag:s23] =	dma.local [hbm:s10], s21  }
0xa6: {  	_ =	swait.ge [sflag:s23], s21  }
0xa7: {  	s9 =	ssub.s32 $0x0, s21;
	[sflag:s23] =	ssyncset.done $0x0  }
0xa8: {  	[sflag:s23] =	ssyncadd.s32 s9;
	_ =	sdelay $0x1  }
0xa9: {  	s24 =	simm.s32 $0x1B8B  }
0xaa: {  	_ =	swait.ge [sflag:s24], $0x1  }
0xab: {  	[sflag:s24] =	ssyncset.done $0x0  }
0xac: {  	s25 =	simm.s32 $0x1B8E;
	[sflag:s24] =	ssyncadd.s32 $0xFFFFFFFF  }
0xad: {  	s26 =	simm.s32 $execute0_lowered;
	[smem:$0x3FD2] =	sst s25  }
0xae: {  	s9 =	sshll.u32 s26, $0x1;
	_ =	strace $0x80000046;
	[dreg:$0x1] =	wrdreg $0xFFFFFFFF  }
0xaf: {  	s28 =	simm.s32 $_size_execute0_lowered;
	s8 =	sadd.s32 s8, s9;
	[dreg:$0x0] =	wrdreg $0x0  }
0xb0: {  	s9 =	sshll.u32 s28, $0x1;
	[dreg:$0x2] =	wrdreg s8  }
0xb1: {  	[dreg:$0x3] =	wrdreg s9  }
0xb2: {  	[dreg:$0x4] =	wrdreg $0xC0  }
0xb3: {  	_ =	task [dreg:s12], $0x5FFFF  }
0xb4: {  	[dreg:$0x1] =	wrdreg $0xFFFFFFFF  }
0xb5: {  	[dreg:$0x0] =	wrdreg $0x60  }
0xb6: {  	[dreg:$0x2] =	wrdreg s19  }
0xb7: {  	[dreg:$0x3] =	wrdreg s7  }
0xb8: {  	[dreg:$0x4] =	wrdreg s16  }
0xb9: {  	[dreg:$0x5] =	wrdreg s17  }
0xba: {  	[dreg:$0x6] =	wrdreg s18  }
0xbb: {  	[dreg:$0x7] =	wrdreg s6  }
0xbc: {  	[dreg:$0x8] =	wrdreg $0x9  }
0xbd: {  	_ =	task.clear_ibuf [dreg:s12], $0x9FFFF;
	_ =	strace $0x90000046  }
0xbe: {  	s29 =	simm.s32 $0x9;
	_ =	strace $0x80000048  }
0xbf: {  	_ =	swait.ge [sflag:s29], $0x1  }
0xc0: {  	[sflag:s29] =	ssyncadd.s32 $0xFFFFFFFF  }
0xc1: {  	_ =	strace $0x90000048  }
0xc2: {  	_ =	sfence  }
0xc3: {  	s30 =	sld [smem:$0x0];
	_ =	sdelay $0x2  }
0xc4: {  	s31 =	sshll.u32 s1, $0xD;
	s1 =	sshrl.u32 s1, $0x2  }
0xc5: {  	s3 =	sand.u32 $0x4000, s31;
	s1 =	sadd.s32 s1, s30  }
0xc6: {  	s0 =	sor.u32 s3, s0;
	s1 =	sshll.u32 s1, $0x11  }
0xc7: {  	s0 =	sor.u32 s1, s0  }
0xc8: {  	s0 =	sadd.s32 $0x8F2B, s0  }
0xc9: {  	[sflag:s0] =	ssyncadd.remote.s32 $0x1  }
0xca: {  	_ =	sfence.sel $0xFFFF  }
0xcb: {  	[dreg:$0x0] =	wrdreg $0xFFFFFFFF;
	(pc) =	sbr.abs _section_cstart, $3  }
0xcc: {  	[dreg:$0x1] =	wrdreg $0xFFFFFFFF  }
0xcd: {  	_ =	task.clear_ibuf [dreg:s12], $0x2FFFF;
	_ =	strace $0x9FFFFFFF  }
0xce: {  	(tm) =	ssettm $0x7FFFFFFF  }
0xcf: {  	_ =	shalt  }
tec
execute0_lowered:
.L_overlay_start_1:
0x0: {  	(tag) =	ssettag $0x1  }
0x1: {  	s0 =	rddreg [dreg:$0x0]  }
0x2: {  	s2 =	rddreg [dreg:$0x1]  }
0x3: {  	s1 =	rddreg [dreg:$0x2]  }
0x4: {  	s4 =	rddreg [dreg:$0x3]  }
0x5: {  	s7 =	rddreg [dreg:$0x4]  }
0x6: {  	s8 =	rddreg [dreg:$0x5]  }
0x7: {  	s5 =	srdreg.scid;
	s3 =	simm.s32 $0x0;
	s9 =	stileid.u32  }
0x8: {  	s14 =	simm.s32 $0x1F00;
	s22 =	simm.s32 $0x2700;
	s15 =	simm.s32 $0x2F00  }
0x9: {  	s16 =	simm.s32 $0x3F00;
	s17 =	simm.s32 $0x4F00;
	s18 =	simm.s32 $0x5F00  }
0xa: {  	s28 =	simm.s32 $0x7700;
	s29 =	simm.s32 $0x7F00;
	s30 =	simm.s32 $0x8700  }
0xb: {  	s31 =	simm.s32 $0x8F00;
	s20 =	simm.s32 $0xAF00;
	s19 =	simm.s32 $0xB700  }
0xc: {  	s21 =	simm.s32 $0x18F00;
	s13 =	simm.s32 $0x0;
	s5 =	sand.u32 $0x1, s5  }
0xd: {  	[smem:$0x7FF] =	sst s3;
	s9 =	sshll.u32 s9, $0x1;
	s6 =	ssub.s32 $0x2, s5  }
0xe: {  	_ =	strace $0x80000047;
	s9 =	sor.u32 s5, s9;
	s5 =	sadd.s32 $0x100, s1  }
0xf: {  	[dreg:$0x14] =	wrdreg s13;
	s11 =	sshll.u32 s9, $0x5;
	s12 =	smul.u32 $0x6000, s9  }
0x10: {  	s10 =	sshrl.u32 s6, $0x1;
	s23 =	smul.u32 $0x30000, s9;
	s0 =	sadd.s32 s0, s11  }
0x11: {  	s24 =	smul.u32 $0x180, s9;
	s2 =	sadd.s32 s2, s11;
	[dreg:$0x7] =	wrdreg s0  }
0x12: {  	s10 =	ssub.s32 s6, s10;
	s7 =	sadd.s32 s7, s11;
	[dreg:$0x8] =	wrdreg s2  }
0x13: {  	s6 =	sadd.s32 $0x200, s1;
	[dreg:$0x9] =	wrdreg s7;
	s2 =	sadd.s32 s8, s24  }
0x14: {  	s25 =	sadd.s32 s4, s12;
	s0 =	sshrl.u32 s23, $0x3;
	[dreg:$0xa] =	wrdreg s2  }
0x15: {  	s12 =	smax.u32 s10, $0x1;
	s24 =	simm.s32 $0x4700;
	[dreg:$0x13] =	wrdreg s25  }
0x16: {  	s23 =	simm.s32 $0x6F00;
	s26 =	sadd.s32 $0xC00, s25;
	[dreg:$0x12] =	wrdreg s12  }
0x17: {  	s0 =	sadd.s32 s4, s0;
	s4 =	sadd.s32 $0x1800, s25;
	[dreg:$0xb] =	wrdreg s26  }
0x18: {  	s10 =	simm.s32 $0x2;
	[dreg:$0xc] =	wrdreg s4;
	s7 =	sadd.s32 $0x2400, s0  }
0x19: {  	s2 =	simm.s32 $0xF00;
	s8 =	sadd.s32 $0x3000, s0;
	[dreg:$0xd] =	wrdreg s7  }
0x1a: {  	s25 =	simm.s32 $0x5700;
	s9 =	sadd.s32 $0x3C00, s0;
	[dreg:$0xe] =	wrdreg s8  }
0x1b: {  	s12 =	simm.s32 $0xCF00;
	s11 =	sadd.s32 $0x4800, s0;
	[dreg:$0xf] =	wrdreg s9  }
0x1c: {  	v2 =	vlaneseq.u32;
	s0 =	sadd.s32 $0x5400, s0;
	s26 =	simm.s32 $0x6700;
	[dreg:$0x10] =	wrdreg s11  }
0x1d: {  	vm0 =	vmmov $0xffff;
	v3 =	vimm.f32 $0.0e+00;
	v1 =	vshrl.u32 v2, $0x3;
	s4 =	simm.s32 $0x9F00;
	[dreg:$0x11] =	wrdreg s0;
	s9 =	simm.s32 $0x3700  }
0x1e: {  	v0 =	vand.u32 $0x7, v2;
	v2 =	vor.u32 $0x8, v2;
	v1 =	vmul.u32 $0x8, v1;
	s0 =	simm.s32 $0x9700;
	s7 =	simm.s32 $0xA700;
	s8 =	simm.s32 $0x1  }
.LBB2_1:
0x1f: {  	s13 =	rddreg [dreg:$0x7];
	s11 =	simm.s32 $0x4  }
0x20: {  	[tilespmem:s3], [sflag:$0x4] =	stream.linear.gather [hbm4b:s13+s3], $0x100, $0x38;
	[tilespmem:$0x1EF00] =	vst v63  }
0x21: {  	_ =	swait.ge [sflag:s11], $0x100  }
0x22: {  	[sflag:s11] =	ssyncset.done $0x0  }
0x23: {  	[sflag:s11] =	ssyncadd.s32 $0xFFFFFF00  }
0x24: {  	v4 =	vld [tilespmem:$0x0];
	_ =	sdelay $0x4  }
0x25: {  	v5 =	vshrl.u32 v4, $0x3  }
0x26: {  	v5 =	vmul.u32 $0x30, v5  }
0x27: {  	v4 =	vand.u32 $0x7, v4  }
0x28: {  	v4 =	vor.u32 v4, v5  }
0x29: {  	v5 =	vperm.xlane v4, v0;
	_ =	sdelay $0x1  }
0x2a: {  	v5 =	vadd.s32 v1, v5;
	_ =	sdelay $0x3  }
0x2b: {  	v4 =	vperm.xlane v4, v2  }
0x2c: {  	[tilespmem:s2], [sflag:$0x1] =	stream.indirect_vreg.gather [hbm4b:s1+s3], $0x80, v5, vm0, $0xb8;
	[tilespmem:$0x1EF00] =	vst v63  }
0x2d: {  	v4 =	vadd.s32 v1, v4;
	s2 =	simm.s32 $0x1700  }
0x2e: {  	[tilespmem:s2], [sflag:$0x1] =	stream.indirect_vreg.gather [hbm4b:s5+s3], $0x80, v5, vm0, $0xb8;
	[tilespmem:$0x1EF00] =	vst v63  }
0x2f: {  	_ = 	snop  }
0x30: {  	[tilespmem:s14], [sflag:$0x1] =	stream.indirect_vreg.gather [hbm4b:s6+s3], $0x80, v5, vm0, $0xb8;
	[tilespmem:$0x1EF00] =	vst v63  }
0x31: {  	_ = 	snop  }
0x32: {  	[tilespmem:s22], [sflag:$0x1] =	stream.indirect_vreg.gather [hbm4b:s1+s3], $0x80, v4, vm0, $0xb8;
	[tilespmem:$0x1EF00] =	vst v63  }
0x33: {  	_ = 	snop  }
0x34: {  	[tilespmem:s15], [sflag:$0x1] =	stream.indirect_vreg.gather [hbm4b:s5+s3], $0x80, v4, vm0, $0xb8;
	[tilespmem:$0x1EF00] =	vst v63  }
0x35: {  	_ = 	snop  }
0x36: {  	[tilespmem:s9], [sflag:$0x1] =	stream.indirect_vreg.gather [hbm4b:s6+s3], $0x80, v4, vm0, $0xb8;
	[tilespmem:$0x1EF00] =	vst v63  }
0x37: {  	v4 =	vld [tilespmem:$0x10];
	_ =	sdelay $0x4  }
0x38: {  	v5 =	vshrl.u32 v4, $0x3  }
0x39: {  	v5 =	vmul.u32 $0x30, v5  }
0x3a: {  	v4 =	vand.u32 $0x7, v4  }
0x3b: {  	v4 =	vor.u32 v4, v5  }
0x3c: {  	v5 =	vperm.xlane v4, v0;
	_ =	sdelay $0x1  }
0x3d: {  	v5 =	vadd.s32 v1, v5;
	_ =	sdelay $0x3  }
0x3e: {  	v4 =	vperm.xlane v4, v2  }
0x3f: {  	[tilespmem:s16], [sflag:$0x1] =	stream.indirect_vreg.gather [hbm4b:s1+s3], $0x80, v5, vm0, $0xb8;
	[tilespmem:$0x1EF00] =	vst v63  }
0x40: {  	v4 =	vadd.s32 v1, v4  }
0x41: {  	[tilespmem:s24], [sflag:$0x1] =	stream.indirect_vreg.gather [hbm4b:s5+s3], $0x80, v5, vm0, $0xb8;
	[tilespmem:$0x1EF00] =	vst v63  }
0x42: {  	_ = 	snop  }
0x43: {  	[tilespmem:s17], [sflag:$0x1] =	stream.indirect_vreg.gather [hbm4b:s6+s3], $0x80, v5, vm0, $0xb8;
	[tilespmem:$0x1EF00] =	vst v63  }
0x44: {  	_ = 	snop  }
0x45: {  	[tilespmem:s25], [sflag:$0x1] =	stream.indirect_vreg.gather [hbm4b:s1+s3], $0x80, v4, vm0, $0xb8;
	[tilespmem:$0x1EF00] =	vst v63  }
0x46: {  	_ = 	snop  }
0x47: {  	[tilespmem:s18], [sflag:$0x1] =	stream.indirect_vreg.gather [hbm4b:s5+s3], $0x80, v4, vm0, $0xb8;
	[tilespmem:$0x1EF00] =	vst v63  }
0x48: {  	_ = 	snop  }
0x49: {  	[tilespmem:s26], [sflag:$0x1] =	stream.indirect_vreg.gather [hbm4b:s6+s3], $0x80, v4, vm0, $0xb8;
	[tilespmem:$0x1EF00] =	vst v63  }
0x4a: {  	v4 =	vld [tilespmem:$0x20];
	_ =	sdelay $0x4  }
0x4b: {  	v5 =	vshrl.u32 v4, $0x3  }
0x4c: {  	v5 =	vmul.u32 $0x30, v5  }
0x4d: {  	v4 =	vand.u32 $0x7, v4  }
0x4e: {  	v4 =	vor.u32 v4, v5  }
0x4f: {  	v5 =	vperm.xlane v4, v0;
	_ =	sdelay $0x1  }
0x50: {  	v5 =	vadd.s32 v1, v5;
	_ =	sdelay $0x3  }
0x51: {  	v4 =	vperm.xlane v4, v2  }
0x52: {  	[tilespmem:s23], [sflag:$0x1] =	stream.indirect_vreg.gather [hbm4b:s1+s3], $0x80, v5, vm0, $0xb8;
	[tilespmem:$0x1EF00] =	vst v63  }
0x53: {  	v4 =	vadd.s32 v1, v4  }
0x54: {  	[tilespmem:s28], [sflag:$0x1] =	stream.indirect_vreg.gather [hbm4b:s5+s3], $0x80, v5, vm0, $0xb8;
	[tilespmem:$0x1EF00] =	vst v63  }
0x55: {  	_ = 	snop  }
0x56: {  	[tilespmem:s29], [sflag:$0x1] =	stream.indirect_vreg.gather [hbm4b:s6+s3], $0x80, v5, vm0, $0xb8;
	[tilespmem:$0x1EF00] =	vst v63  }
0x57: {  	_ = 	snop  }
0x58: {  	[tilespmem:s30], [sflag:$0x1] =	stream.indirect_vreg.gather [hbm4b:s1+s3], $0x80, v4, vm0, $0xb8;
	[tilespmem:$0x1EF00] =	vst v63  }
0x59: {  	_ = 	snop  }
0x5a: {  	[tilespmem:s31], [sflag:$0x1] =	stream.indirect_vreg.gather [hbm4b:s5+s3], $0x80, v4, vm0, $0xb8;
	[tilespmem:$0x1EF00] =	vst v63  }
0x5b: {  	_ = 	snop  }
0x5c: {  	[tilespmem:s0], [sflag:$0x1] =	stream.indirect_vreg.gather [hbm4b:s6+s3], $0x80, v4, vm0, $0xb8;
	[tilespmem:$0x1EF00] =	vst v63  }
0x5d: {  	v4 =	vld [tilespmem:$0x30];
	_ =	sdelay $0x4  }
0x5e: {  	v5 =	vshrl.u32 v4, $0x3  }
0x5f: {  	v5 =	vmul.u32 $0x30, v5  }
0x60: {  	v4 =	vand.u32 $0x7, v4  }
0x61: {  	v4 =	vor.u32 v4, v5  }
0x62: {  	v5 =	vperm.xlane v4, v0;
	_ =	sdelay $0x1  }
0x63: {  	v5 =	vadd.s32 v1, v5;
	_ =	sdelay $0x3  }
0x64: {  	v4 =	vperm.xlane v4, v2  }
0x65: {  	[tilespmem:s4], [sflag:$0x1] =	stream.indirect_vreg.gather [hbm4b:s1+s3], $0x80, v5, vm0, $0xb8;
	[tilespmem:$0x1EF00] =	vst v63  }
0x66: {  	v4 =	vadd.s32 v1, v4  }
0x67: {  	[tilespmem:s7], [sflag:$0x1] =	stream.indirect_vreg.gather [hbm4b:s5+s3], $0x80, v5, vm0, $0xb8;
	[tilespmem:$0x1EF00] =	vst v63  }
0x68: {  	_ = 	snop  }
0x69: {  	[tilespmem:s20], [sflag:$0x1] =	stream.indirect_vreg.gather [hbm4b:s6+s3], $0x80, v5, vm0, $0xb8;
	[tilespmem:$0x1EF00] =	vst v63  }
0x6a: {  	_ = 	snop  }
0x6b: {  	[tilespmem:s19], [sflag:$0x1] =	stream.indirect_vreg.gather [hbm4b:s1+s3], $0x80, v4, vm0, $0xb8;
	[tilespmem:$0x1EF00] =	vst v63  }
0x6c: {  	s13 =	simm.s32 $0xBF00  }
0x6d: {  	[tilespmem:s13], [sflag:$0x1] =	stream.indirect_vreg.gather [hbm4b:s5+s3], $0x80, v4, vm0, $0xb8;
	[tilespmem:$0x1EF00] =	vst v63  }
0x6e: {  	s14 =	simm.s32 $0xC700  }
0x6f: {  	[tilespmem:s14], [sflag:$0x1] =	stream.indirect_vreg.gather [hbm4b:s6+s3], $0x80, v4, vm0, $0xb8;
	[tilespmem:$0x1EF00] =	vst v63  }
0x70: {  	v4 =	vld [tilespmem:$0x40];
	_ =	sdelay $0x4  }
0x71: {  	v5 =	vshrl.u32 v4, $0x3  }
0x72: {  	v5 =	vmul.u32 $0x30, v5  }
0x73: {  	v4 =	vand.u32 $0x7, v4  }
0x74: {  	v4 =	vor.u32 v4, v5  }
0x75: {  	v5 =	vperm.xlane v4, v0;
	_ =	sdelay $0x1  }
0x76: {  	v5 =	vadd.s32 v1, v5;
	_ =	sdelay $0x3  }
0x77: {  	v4 =	vperm.xlane v4, v2  }
0x78: {  	[tilespmem:s12], [sflag:$0x1] =	stream.indirect_vreg.gather [hbm4b:s1+s3], $0x80, v5, vm0, $0xb8;
	[tilespmem:$0x1EF00] =	vst v63  }
0x79: {  	s15 =	simm.s32 $0xD700;
	v4 =	vadd.s32 v1, v4  }
0x7a: {  	[tilespmem:s15], [sflag:$0x1] =	stream.indirect_vreg.gather [hbm4b:s5+s3], $0x80, v5, vm0, $0xb8;
	[tilespmem:$0x1EF00] =	vst v63  }
0x7b: {  	s16 =	simm.s32 $0xDF00  }
0x7c: {  	[tilespmem:s16], [sflag:$0x1] =	stream.indirect_vreg.gather [hbm4b:s6+s3], $0x80, v5, vm0, $0xb8;
	[tilespmem:$0x1EF00] =	vst v63  }
0x7d: {  	s17 =	simm.s32 $0xE700  }
0x7e: {  	[tilespmem:s17], [sflag:$0x1] =	stream.indirect_vreg.gather [hbm4b:s1+s3], $0x80, v4, vm0, $0xb8;
	[tilespmem:$0x1EF00] =	vst v63  }
0x7f: {  	s18 =	simm.s32 $0xEF00  }
0x80: {  	[tilespmem:s18], [sflag:$0x1] =	stream.indirect_vreg.gather [hbm4b:s5+s3], $0x80, v4, vm0, $0xb8;
	[tilespmem:$0x1EF00] =	vst v63  }
0x81: {  	s19 =	simm.s32 $0xF700  }
0x82: {  	[tilespmem:s19], [sflag:$0x1] =	stream.indirect_vreg.gather [hbm4b:s6+s3], $0x80, v4, vm0, $0xb8;
	[tilespmem:$0x1EF00] =	vst v63  }
0x83: {  	v4 =	vld [tilespmem:$0x50];
	_ =	sdelay $0x4  }
0x84: {  	v5 =	vshrl.u32 v4, $0x3  }
0x85: {  	v5 =	vmul.u32 $0x30, v5  }
0x86: {  	v4 =	vand.u32 $0x7, v4  }
0x87: {  	v4 =	vor.u32 v4, v5  }
0x88: {  	v5 =	vperm.xlane v4, v0;
	_ =	sdelay $0x1  }
0x89: {  	v5 =	vadd.s32 v1, v5;
	_ =	sdelay $0x3  }
0x8a: {  	s20 =	simm.s32 $0xFF00;
	v4 =	vperm.xlane v4, v2  }
0x8b: {  	[tilespmem:s20], [sflag:$0x1] =	stream.indirect_vreg.gather [hbm4b:s1+s3], $0x80, v5, vm0, $0xb8;
	[tilespmem:$0x1EF00] =	vst v63  }
0x8c: {  	s22 =	simm.s32 $0x10700;
	v4 =	vadd.s32 v1, v4  }
0x8d: {  	[tilespmem:s22], [sflag:$0x1] =	stream.indirect_vreg.gather [hbm4b:s5+s3], $0x80, v5, vm0, $0xb8;
	[tilespmem:$0x1EF00] =	vst v63  }
0x8e: {  	s23 =	simm.s32 $0x10F00  }
0x8f: {  	[tilespmem:s23], [sflag:$0x1] =	stream.indirect_vreg.gather [hbm4b:s6+s3], $0x80, v5, vm0, $0xb8;
	[tilespmem:$0x1EF00] =	vst v63  }
0x90: {  	s24 =	simm.s32 $0x11700  }
0x91: {  	[tilespmem:s24], [sflag:$0x1] =	stream.indirect_vreg.gather [hbm4b:s1+s3], $0x80, v4, vm0, $0xb8;
	[tilespmem:$0x1EF00] =	vst v63  }
0x92: {  	s25 =	simm.s32 $0x11F00  }
0x93: {  	[tilespmem:s25], [sflag:$0x1] =	stream.indirect_vreg.gather [hbm4b:s5+s3], $0x80, v4, vm0, $0xb8;
	[tilespmem:$0x1EF00] =	vst v63  }
0x94: {  	s26 =	simm.s32 $0x12700  }
0x95: {  	[tilespmem:s26], [sflag:$0x1] =	stream.indirect_vreg.gather [hbm4b:s6+s3], $0x80, v4, vm0, $0xb8;
	[tilespmem:$0x1EF00] =	vst v63  }
0x96: {  	v4 =	vld [tilespmem:$0x60];
	_ =	sdelay $0x4  }
0x97: {  	v5 =	vshrl.u32 v4, $0x3  }
0x98: {  	v5 =	vmul.u32 $0x30, v5  }
0x99: {  	v4 =	vand.u32 $0x7, v4  }
0x9a: {  	v4 =	vor.u32 v4, v5  }
0x9b: {  	v5 =	vperm.xlane v4, v0;
	_ =	sdelay $0x1  }
0x9c: {  	v5 =	vadd.s32 v1, v5;
	_ =	sdelay $0x3  }
0x9d: {  	s28 =	simm.s32 $0x12F00;
	v4 =	vperm.xlane v4, v2  }
0x9e: {  	[tilespmem:s28], [sflag:$0x1] =	stream.indirect_vreg.gather [hbm4b:s1+s3], $0x80, v5, vm0, $0xb8;
	[tilespmem:$0x1EF00] =	vst v63  }
0x9f: {  	s29 =	simm.s32 $0x13700;
	v4 =	vadd.s32 v1, v4  }
0xa0: {  	[tilespmem:s29], [sflag:$0x1] =	stream.indirect_vreg.gather [hbm4b:s5+s3], $0x80, v5, vm0, $0xb8;
	[tilespmem:$0x1EF00] =	vst v63  }
0xa1: {  	s30 =	simm.s32 $0x13F00  }
0xa2: {  	[tilespmem:s30], [sflag:$0x1] =	stream.indirect_vreg.gather [hbm4b:s6+s3], $0x80, v5, vm0, $0xb8;
	[tilespmem:$0x1EF00] =	vst v63  }
0xa3: {  	s31 =	simm.s32 $0x14700  }
0xa4: {  	[tilespmem:s31], [sflag:$0x1] =	stream.indirect_vreg.gather [hbm4b:s1+s3], $0x80, v4, vm0, $0xb8;
	[tilespmem:$0x1EF00] =	vst v63  }
0xa5: {  	s2 =	simm.s32 $0x14F00  }
0xa6: {  	[tilespmem:s2], [sflag:$0x1] =	stream.indirect_vreg.gather [hbm4b:s5+s3], $0x80, v4, vm0, $0xb8;
	[tilespmem:$0x1EF00] =	vst v63  }
0xa7: {  	s4 =	simm.s32 $0x15700  }
0xa8: {  	[tilespmem:s4], [sflag:$0x1] =	stream.indirect_vreg.gather [hbm4b:s6+s3], $0x80, v4, vm0, $0xb8;
	[tilespmem:$0x1EF00] =	vst v63  }
0xa9: {  	v4 =	vld [tilespmem:$0x70];
	_ =	sdelay $0x4  }
0xaa: {  	v5 =	vshrl.u32 v4, $0x3  }
0xab: {  	v5 =	vmul.u32 $0x30, v5  }
0xac: {  	v4 =	vand.u32 $0x7, v4  }
0xad: {  	v4 =	vor.u32 v4, v5  }
0xae: {  	v5 =	vperm.xlane v4, v0;
	_ =	sdelay $0x1  }
0xaf: {  	v5 =	vadd.s32 v1, v5;
	_ =	sdelay $0x3  }
0xb0: {  	s7 =	simm.s32 $0x15F00;
	v4 =	vperm.xlane v4, v2  }
0xb1: {  	[tilespmem:s7], [sflag:$0x1] =	stream.indirect_vreg.gather [hbm4b:s1+s3], $0x80, v5, vm0, $0xb8;
	[tilespmem:$0x1EF00] =	vst v63  }
0xb2: {  	s9 =	simm.s32 $0x16700;
	v4 =	vadd.s32 v1, v4  }
0xb3: {  	[tilespmem:s9], [sflag:$0x1] =	stream.indirect_vreg.gather [hbm4b:s5+s3], $0x80, v5, vm0, $0xb8;
	[tilespmem:$0x1EF00] =	vst v63  }
0xb4: {  	s12 =	simm.s32 $0x16F00  }
0xb5: {  	[tilespmem:s12], [sflag:$0x1] =	stream.indirect_vreg.gather [hbm4b:s6+s3], $0x80, v5, vm0, $0xb8;
	[tilespmem:$0x1EF00] =	vst v63  }
0xb6: {  	s13 =	simm.s32 $0x17700  }
0xb7: {  	[tilespmem:s13], [sflag:$0x1] =	stream.indirect_vreg.gather [hbm4b:s1+s3], $0x80, v4, vm0, $0xb8;
	[tilespmem:$0x1EF00] =	vst v63  }
0xb8: {  	s14 =	simm.s32 $0x17F00  }
0xb9: {  	[tilespmem:s14], [sflag:$0x1] =	stream.indirect_vreg.gather [hbm4b:s5+s3], $0x80, v4, vm0, $0xb8;
	[tilespmem:$0x1EF00] =	vst v63  }
0xba: {  	s15 =	simm.s32 $0x18700  }
0xbb: {  	[tilespmem:s15], [sflag:$0x1] =	stream.indirect_vreg.gather [hbm4b:s6+s3], $0x80, v4, vm0, $0xb8;
	[tilespmem:$0x1EF00] =	vst v63  }
0xbc: {  	v4 =	vld [tilespmem:$0x80];
	_ =	sdelay $0x4  }
0xbd: {  	v5 =	vshrl.u32 v4, $0x3  }
0xbe: {  	v5 =	vmul.u32 $0x30, v5  }
0xbf: {  	v4 =	vand.u32 $0x7, v4  }
0xc0: {  	v4 =	vor.u32 v4, v5  }
0xc1: {  	v5 =	vperm.xlane v4, v0;
	_ =	sdelay $0x1  }
0xc2: {  	v5 =	vadd.s32 v1, v5;
	_ =	sdelay $0x3  }
0xc3: {  	v4 =	vperm.xlane v4, v2  }
0xc4: {  	[tilespmem:s21], [sflag:$0x1] =	stream.indirect_vreg.gather [hbm4b:s1+s3], $0x80, v5, vm0, $0xb8;
	[tilespmem:$0x1EF00] =	vst v63  }
0xc5: {  	s16 =	simm.s32 $0x19700;
	v4 =	vadd.s32 v1, v4  }
0xc6: {  	[tilespmem:s16], [sflag:$0x1] =	stream.indirect_vreg.gather [hbm4b:s5+s3], $0x80, v5, vm0, $0xb8;
	[tilespmem:$0x1EF00] =	vst v63  }
0xc7: {  	s17 =	simm.s32 $0x19F00  }
0xc8: {  	[tilespmem:s17], [sflag:$0x1] =	stream.indirect_vreg.gather [hbm4b:s6+s3], $0x80, v5, vm0, $0xb8;
	[tilespmem:$0x1EF00] =	vst v63  }
0xc9: {  	s18 =	simm.s32 $0x1A700  }
0xca: {  	[tilespmem:s18], [sflag:$0x1] =	stream.indirect_vreg.gather [hbm4b:s1+s3], $0x80, v4, vm0, $0xb8;
	[tilespmem:$0x1EF00] =	vst v63  }
0xcb: {  	s19 =	simm.s32 $0x1AF00  }
0xcc: {  	[tilespmem:s19], [sflag:$0x1] =	stream.indirect_vreg.gather [hbm4b:s5+s3], $0x80, v4, vm0, $0xb8;
	[tilespmem:$0x1EF00] =	vst v63  }
0xcd: {  	s20 =	simm.s32 $0x1B700  }
0xce: {  	[tilespmem:s20], [sflag:$0x1] =	stream.indirect_vreg.gather [hbm4b:s6+s3], $0x80, v4, vm0, $0xb8;
	[tilespmem:$0x1EF00] =	vst v63  }
0xcf: {  	v4 =	vld [tilespmem:$0x90];
	_ =	sdelay $0x4  }
0xd0: {  	v5 =	vshrl.u32 v4, $0x3  }
0xd1: {  	v5 =	vmul.u32 $0x30, v5  }
0xd2: {  	v4 =	vand.u32 $0x7, v4  }
0xd3: {  	v4 =	vor.u32 v4, v5  }
0xd4: {  	v5 =	vperm.xlane v4, v0;
	_ =	sdelay $0x1  }
0xd5: {  	v5 =	vadd.s32 v1, v5;
	_ =	sdelay $0x3  }
0xd6: {  	s21 =	simm.s32 $0x1BF00;
	v4 =	vperm.xlane v4, v2  }
0xd7: {  	[tilespmem:s21], [sflag:$0x1] =	stream.indirect_vreg.gather [hbm4b:s1+s3], $0x80, v5, vm0, $0xb8;
	[tilespmem:$0x1EF00] =	vst v63  }
0xd8: {  	s22 =	simm.s32 $0x1C700;
	v4 =	vadd.s32 v1, v4  }
0xd9: {  	[tilespmem:s22], [sflag:$0x1] =	stream.indirect_vreg.gather [hbm4b:s5+s3], $0x80, v5, vm0, $0xb8;
	[tilespmem:$0x1EF00] =	vst v63  }
0xda: {  	s23 =	simm.s32 $0x1CF00  }
0xdb: {  	[tilespmem:s23], [sflag:$0x1] =	stream.indirect_vreg.gather [hbm4b:s6+s3], $0x80, v5, vm0, $0xb8;
	[tilespmem:$0x1EF00] =	vst v63  }
0xdc: {  	s24 =	simm.s32 $0x1D700  }
0xdd: {  	[tilespmem:s24], [sflag:$0x1] =	stream.indirect_vreg.gather [hbm4b:s1+s3], $0x80, v4, vm0, $0xb8;
	[tilespmem:$0x1EF00] =	vst v63  }
0xde: {  	s25 =	simm.s32 $0x1DF00  }
0xdf: {  	[tilespmem:s25], [sflag:$0x1] =	stream.indirect_vreg.gather [hbm4b:s5+s3], $0x80, v4, vm0, $0xb8;
	[tilespmem:$0x1EF00] =	vst v63  }
0xe0: {  	s26 =	simm.s32 $0x1E700  }
0xe1: {  	[tilespmem:s26], [sflag:$0x1] =	stream.indirect_vreg.gather [hbm4b:s6+s3], $0x80, v4, vm0, $0xb8;
	[tilespmem:$0x1EF00] =	vst v63  }
0xe2: {  	s28 =	rddreg [dreg:$0x8];
	s29 =	simm.s32 $0x100  }
0xe3: {  	[tilespmem:s29], [sflag:$0x4] =	stream.linear.gather [hbm4b:s28+s3], $0x100, $0x38;
	[tilespmem:$0x1EF00] =	vst v63  }
0xe4: {  	_ =	swait.ge [sflag:s11], $0x100  }
0xe5: {  	[sflag:s11] =	ssyncset.done $0x0  }
0xe6: {  	[sflag:s11] =	ssyncadd.s32 $0xFFFFFF00  }
0xe7: {  	v4 =	vld [tilespmem:$0x100]  }
0xe8: {  	v5 =	vld [tilespmem:$0x110]  }
0xe9: {  	v6 =	vld [tilespmem:$0x120]  }
0xea: {  	v7 =	vld [tilespmem:$0x130]  }
0xeb: {  	v8 =	vld [tilespmem:$0x140]  }
0xec: {  	v9 =	vld [tilespmem:$0x150];
	v4 =	vcvt.s32.f32 v4  }
0xed: {  	v10 =	vld [tilespmem:$0x160];
	v5 =	vcvt.s32.f32 v5  }
0xee: {  	v11 =	vld [tilespmem:$0x170];
	v6 =	vcvt.s32.f32 v6;
	v4 =	vsub.f32 $1.000000000e+00, v4  }
0xef: {  	v12 =	vld [tilespmem:$0x180];
	v7 =	vcvt.s32.f32 v7;
	v5 =	vsub.f32 $1.000000000e+00, v5  }
0xf0: {  	v13 =	vld [tilespmem:$0x190];
	v8 =	vcvt.s32.f32 v8;
	v6 =	vsub.f32 $1.000000000e+00, v6;
	v4 =	vmul.f32 $-3.402823470e+38, v4  }
0xf1: {  	v14 =	vld [tilespmem:$0x1A0];
	v9 =	vcvt.s32.f32 v9;
	v7 =	vsub.f32 $1.000000000e+00, v7;
	v5 =	vmul.f32 $-3.402823470e+38, v5  }
0xf2: {  	v39 =	vld [tilespmem:$0x1B0];
	v38 =	vcvt.s32.f32 v10;
	v37 =	vsub.f32 $1.000000000e+00, v8;
	[tilespmem:$0x200] =	vst v4;
	v4 =	vmul.f32 $-3.402823470e+38, v6  }
0xf3: {  	v42 =	vld [tilespmem:$0x1C0];
	v41 =	vcvt.s32.f32 v11;
	v40 =	vsub.f32 $1.000000000e+00, v9;
	[tilespmem:$0x210] =	vst v5;
	v5 =	vmul.f32 $-3.402823470e+38, v7  }
0xf4: {  	v45 =	vld [tilespmem:$0x1D0];
	v44 =	vcvt.s32.f32 v12;
	v43 =	vsub.f32 $1.000000000e+00, v38;
	[tilespmem:$0x220] =	vst v4;
	v4 =	vmul.f32 $-3.402823470e+38, v37  }
0xf5: {  	v48 =	vld [tilespmem:$0x1E0];
	v47 =	vcvt.s32.f32 v13;
	v46 =	vsub.f32 $1.000000000e+00, v41;
	[tilespmem:$0x230] =	vst v5;
	v5 =	vmul.f32 $-3.402823470e+38, v40  }
0xf6: {  	v51 =	vld [tilespmem:$0x1F0];
	v50 =	vcvt.s32.f32 v14;
	v49 =	vsub.f32 $1.000000000e+00, v44;
	[tilespmem:$0x240] =	vst v4;
	v4 =	vmul.f32 $-3.402823470e+38, v43  }
0xf7: {  	v53 =	vcvt.s32.f32 v39;
	v52 =	vsub.f32 $1.000000000e+00, v47;
	[tilespmem:$0x250] =	vst v5;
	v5 =	vmul.f32 $-3.402823470e+38, v46  }
0xf8: {  	v55 =	vcvt.s32.f32 v42;
	v54 =	vsub.f32 $1.000000000e+00, v50;
	[tilespmem:$0x260] =	vst v4;
	v4 =	vmul.f32 $-3.402823470e+38, v49  }
0xf9: {  	v57 =	vcvt.s32.f32 v45;
	v56 =	vsub.f32 $1.000000000e+00, v53;
	[tilespmem:$0x270] =	vst v5;
	v5 =	vmul.f32 $-3.402823470e+38, v52  }
0xfa: {  	v59 =	vcvt.s32.f32 v48;
	v58 =	vsub.f32 $1.000000000e+00, v55;
	[tilespmem:$0x280] =	vst v4;
	v4 =	vmul.f32 $-3.402823470e+38, v54  }
0xfb: {  	v61 =	vcvt.s32.f32 v51;
	v60 =	vsub.f32 $1.000000000e+00, v57;
	[tilespmem:$0x290] =	vst v5;
	v5 =	vmul.f32 $-3.402823470e+38, v56  }
0xfc: {  	v62 =	vsub.f32 $1.000000000e+00, v59;
	[tilespmem:$0x2A0] =	vst v4;
	v4 =	vmul.f32 $-3.402823470e+38, v58  }
0xfd: {  	v63 =	vsub.f32 $1.000000000e+00, v61;
	[tilespmem:$0x2B0] =	vst v5;
	v5 =	vmul.f32 $-3.402823470e+38, v60  }
0xfe: {  	[tilespmem:$0x2C0] =	vst v4;
	v4 =	vmul.f32 $-3.402823470e+38, v62  }
0xff: {  	s0 =	simm.s32 $0x6F00;
	[tilespmem:$0x2D0] =	vst v5;
	v5 =	vmul.f32 $-3.402823470e+38, v63  }
0x100: {  	s31 =	simm.s32 $0x200;
	s4 =	simm.s32 $0xCF00;
	s7 =	simm.s32 $0x12F00;
	[tilespmem:$0x2E0] =	vst v4  }
0x101: {  	s13 =	simm.s32 $0x40;
	s21 =	simm.s32 $0x0;
	s30 =	rddreg [dreg:$0x9];
	[tilespmem:$0x2F0] =	vst v5  }
0x102: {  	[hbm4b:s30+s3] =	stream.linear.scatter [tilespmem:s31], [sflag:$0x3], $0x100, $0x38;
	[tilespmem:$0x1EF00] =	vst v63  }
.LBB2_2:
0x103: {  	p0 =	sne.s32 s13, $0x2FC0;
	[tilespmem:s21+$0x300] =	vst v3;
	s21 =	smov.u32 s13;
	s13 =	sadd.s32 $0x40, s13  }
.Ltmp0:
0x104: {  	(pc) =	sbr.rel @p0 .LBB2_2-.Ltmp0, $2  }
0x105: {  	_ =	sdelay $0x2  }
0x106: {  	s21 =	sshra.s32 s21, $0x2  }
0x107: {  	[tilespmem:s21+$0x300] =	vst v3;
	s13 =	rddreg [dreg:$0xa];
	s2 =	simm.s32 $0x300  }
0x108: {  	[hbm4b:s13+s3] =	stream.linear.scatter [tilespmem:s2], [sflag:$0x3], $0xC00, $0x38;
	[tilespmem:$0x1EF00] =	vst v63  }
0x109: {  	_ =	swait.ge [sflag:s8], $0x6000  }
0x10a: {  	[sflag:s8] =	ssyncset.done $0x0  }
0x10b: {  	s2 =	simm.s32 $0xF00;
	s9 =	rddreg [dreg:$0x13];
	[sflag:s8] =	ssyncadd.s32 $0xFFFFA000  }
0x10c: {  	[hbm4b:s9+s3] =	stream.linear.scatter [tilespmem:s2], [sflag:$0x2], $0x6000, $0x38;
	[tilespmem:$0x1EF00] =	vst v63  }
0x10d: {  	_ =	swait.ge [sflag:s8], $0x6000  }
0x10e: {  	[sflag:s8] =	ssyncset.done $0x0  }
0x10f: {  	s17 =	rddreg [dreg:$0xb];
	[sflag:s8] =	ssyncadd.s32 $0xFFFFA000  }
0x110: {  	[hbm4b:s17+s3] =	stream.linear.scatter [tilespmem:s0], [sflag:$0x2], $0x6000, $0x38;
	[tilespmem:$0x1EF00] =	vst v63  }
0x111: {  	_ =	swait.ge [sflag:s8], $0x6000  }
0x112: {  	[sflag:s8] =	ssyncset.done $0x0  }
0x113: {  	s18 =	rddreg [dreg:$0xc];
	[sflag:s8] =	ssyncadd.s32 $0xFFFFA000  }
0x114: {  	[hbm4b:s18+s3] =	stream.linear.scatter [tilespmem:s4], [sflag:$0x2], $0x6000, $0x38;
	[tilespmem:$0x1EF00] =	vst v63  }
0x115: {  	_ =	swait.ge [sflag:s10], $0x6000  }
0x116: {  	[sflag:s10] =	ssyncset.done $0x0  }
0x117: {  	[sflag:s10] =	ssyncadd.s32 $0xFFFFA000  }
0x118: {  	v4 =	vld [tilespmem:$0xA0];
	_ =	sdelay $0x4  }
0x119: {  	v5 =	vshrl.u32 v4, $0x3  }
0x11a: {  	v5 =	vmul.u32 $0x30, v5  }
0x11b: {  	v4 =	vand.u32 $0x7, v4  }
0x11c: {  	v4 =	vor.u32 v4, v5  }
0x11d: {  	v5 =	vperm.xlane v4, v0;
	_ =	sdelay $0x1  }
0x11e: {  	v5 =	vadd.s32 v1, v5;
	_ =	sdelay $0x3  }
0x11f: {  	v4 =	vperm.xlane v4, v2  }
0x120: {  	[tilespmem:s2], [sflag:$0x1] =	stream.indirect_vreg.gather [hbm4b:s1+s3], $0x80, v5, vm0, $0xb8;
	[tilespmem:$0x1EF00] =	vst v63  }
0x121: {  	s19 =	simm.s32 $0x1700;
	v4 =	vadd.s32 v1, v4  }
0x122: {  	[tilespmem:s19], [sflag:$0x1] =	stream.indirect_vreg.gather [hbm4b:s5+s3], $0x80, v5, vm0, $0xb8;
	[tilespmem:$0x1EF00] =	vst v63  }
0x123: {  	s14 =	simm.s32 $0x1F00  }
0x124: {  	[tilespmem:s14], [sflag:$0x1] =	stream.indirect_vreg.gather [hbm4b:s6+s3], $0x80, v5, vm0, $0xb8;
	[tilespmem:$0x1EF00] =	vst v63  }
0x125: {  	s22 =	simm.s32 $0x2700  }
0x126: {  	[tilespmem:s22], [sflag:$0x1] =	stream.indirect_vreg.gather [hbm4b:s1+s3], $0x80, v4, vm0, $0xb8;
	[tilespmem:$0x1EF00] =	vst v63  }
0x127: {  	s15 =	simm.s32 $0x2F00  }
0x128: {  	[tilespmem:s15], [sflag:$0x1] =	stream.indirect_vreg.gather [hbm4b:s5+s3], $0x80, v4, vm0, $0xb8;
	[tilespmem:$0x1EF00] =	vst v63  }
0x129: {  	s9 =	simm.s32 $0x3700  }
0x12a: {  	[tilespmem:s9], [sflag:$0x1] =	stream.indirect_vreg.gather [hbm4b:s6+s3], $0x80, v4, vm0, $0xb8;
	[tilespmem:$0x1EF00] =	vst v63  }
0x12b: {  	v4 =	vld [tilespmem:$0xB0];
	_ =	sdelay $0x4  }
0x12c: {  	v5 =	vshrl.u32 v4, $0x3  }
0x12d: {  	v5 =	vmul.u32 $0x30, v5  }
0x12e: {  	v4 =	vand.u32 $0x7, v4  }
0x12f: {  	v4 =	vor.u32 v4, v5  }
0x130: {  	v5 =	vperm.xlane v4, v0;
	_ =	sdelay $0x1  }
0x131: {  	v5 =	vadd.s32 v1, v5;
	_ =	sdelay $0x3  }
0x132: {  	s16 =	simm.s32 $0x3F00;
	v4 =	vperm.xlane v4, v2  }
0x133: {  	[tilespmem:s16], [sflag:$0x1] =	stream.indirect_vreg.gather [hbm4b:s1+s3], $0x80, v5, vm0, $0xb8;
	[tilespmem:$0x1EF00] =	vst v63  }
0x134: {  	s24 =	simm.s32 $0x4700;
	v4 =	vadd.s32 v1, v4  }
0x135: {  	[tilespmem:s24], [sflag:$0x1] =	stream.indirect_vreg.gather [hbm4b:s5+s3], $0x80, v5, vm0, $0xb8;
	[tilespmem:$0x1EF00] =	vst v63  }
0x136: {  	s17 =	simm.s32 $0x4F00  }
0x137: {  	[tilespmem:s17], [sflag:$0x1] =	stream.indirect_vreg.gather [hbm4b:s6+s3], $0x80, v5, vm0, $0xb8;
	[tilespmem:$0x1EF00] =	vst v63  }
0x138: {  	s25 =	simm.s32 $0x5700  }
0x139: {  	[tilespmem:s25], [sflag:$0x1] =	stream.indirect_vreg.gather [hbm4b:s1+s3], $0x80, v4, vm0, $0xb8;
	[tilespmem:$0x1EF00] =	vst v63  }
0x13a: {  	s18 =	simm.s32 $0x5F00  }
0x13b: {  	[tilespmem:s18], [sflag:$0x1] =	stream.indirect_vreg.gather [hbm4b:s5+s3], $0x80, v4, vm0, $0xb8;
	[tilespmem:$0x1EF00] =	vst v63  }
0x13c: {  	s26 =	simm.s32 $0x6700  }
0x13d: {  	[tilespmem:s26], [sflag:$0x1] =	stream.indirect_vreg.gather [hbm4b:s6+s3], $0x80, v4, vm0, $0xb8;
	[tilespmem:$0x1EF00] =	vst v63  }
0x13e: {  	_ =	swait.ge [sflag:s8], $0x6000  }
0x13f: {  	[sflag:s8] =	ssyncset.done $0x0  }
0x140: {  	s20 =	rddreg [dreg:$0xd];
	[sflag:s8] =	ssyncadd.s32 $0xFFFFA000  }
0x141: {  	[hbm4b:s20+s3] =	stream.linear.scatter [tilespmem:s7], [sflag:$0x2], $0x6000, $0x38;
	[tilespmem:$0x1EF00] =	vst v63  }
0x142: {  	_ =	swait.ge [sflag:s10], $0x6000  }
0x143: {  	[sflag:s10] =	ssyncset.done $0x0  }
0x144: {  	[sflag:s10] =	ssyncadd.s32 $0xFFFFA000  }
0x145: {  	v4 =	vld [tilespmem:$0xC0];
	_ =	sdelay $0x4  }
0x146: {  	v5 =	vshrl.u32 v4, $0x3  }
0x147: {  	v5 =	vmul.u32 $0x30, v5  }
0x148: {  	v4 =	vand.u32 $0x7, v4  }
0x149: {  	v4 =	vor.u32 v4, v5  }
0x14a: {  	v5 =	vperm.xlane v4, v0;
	_ =	sdelay $0x1  }
0x14b: {  	v5 =	vadd.s32 v1, v5;
	_ =	sdelay $0x3  }
0x14c: {  	s23 =	simm.s32 $0x6F00;
	v4 =	vperm.xlane v4, v2  }
0x14d: {  	[tilespmem:s23], [sflag:$0x1] =	stream.indirect_vreg.gather [hbm4b:s1+s3], $0x80, v5, vm0, $0xb8;
	[tilespmem:$0x1EF00] =	vst v63  }
0x14e: {  	s28 =	simm.s32 $0x7700;
	v4 =	vadd.s32 v1, v4  }
0x14f: {  	[tilespmem:s28], [sflag:$0x1] =	stream.indirect_vreg.gather [hbm4b:s5+s3], $0x80, v5, vm0, $0xb8;
	[tilespmem:$0x1EF00] =	vst v63  }
0x150: {  	s29 =	simm.s32 $0x7F00  }
0x151: {  	[tilespmem:s29], [sflag:$0x1] =	stream.indirect_vreg.gather [hbm4b:s6+s3], $0x80, v5, vm0, $0xb8;
	[tilespmem:$0x1EF00] =	vst v63  }
0x152: {  	s30 =	simm.s32 $0x8700  }
0x153: {  	[tilespmem:s30], [sflag:$0x1] =	stream.indirect_vreg.gather [hbm4b:s1+s3], $0x80, v4, vm0, $0xb8;
	[tilespmem:$0x1EF00] =	vst v63  }
0x154: {  	s31 =	simm.s32 $0x8F00  }
0x155: {  	[tilespmem:s31], [sflag:$0x1] =	stream.indirect_vreg.gather [hbm4b:s5+s3], $0x80, v4, vm0, $0xb8;
	[tilespmem:$0x1EF00] =	vst v63  }
0x156: {  	s0 =	simm.s32 $0x9700  }
0x157: {  	[tilespmem:s0], [sflag:$0x1] =	stream.indirect_vreg.gather [hbm4b:s6+s3], $0x80, v4, vm0, $0xb8;
	[tilespmem:$0x1EF00] =	vst v63  }
0x158: {  	v4 =	vld [tilespmem:$0xD0];
	_ =	sdelay $0x4  }
0x159: {  	v5 =	vshrl.u32 v4, $0x3  }
0x15a: {  	v5 =	vmul.u32 $0x30, v5  }
0x15b: {  	v4 =	vand.u32 $0x7, v4  }
0x15c: {  	v4 =	vor.u32 v4, v5  }
0x15d: {  	v5 =	vperm.xlane v4, v0;
	_ =	sdelay $0x1  }
0x15e: {  	v5 =	vadd.s32 v1, v5;
	_ =	sdelay $0x3  }
0x15f: {  	s4 =	simm.s32 $0x9F00;
	v4 =	vperm.xlane v4, v2  }
0x160: {  	[tilespmem:s4], [sflag:$0x1] =	stream.indirect_vreg.gather [hbm4b:s1+s3], $0x80, v5, vm0, $0xb8;
	[tilespmem:$0x1EF00] =	vst v63  }
0x161: {  	s7 =	simm.s32 $0xA700;
	v4 =	vadd.s32 v1, v4  }
0x162: {  	[tilespmem:s7], [sflag:$0x1] =	stream.indirect_vreg.gather [hbm4b:s5+s3], $0x80, v5, vm0, $0xb8;
	[tilespmem:$0x1EF00] =	vst v63  }
0x163: {  	s20 =	simm.s32 $0xAF00  }
0x164: {  	[tilespmem:s20], [sflag:$0x1] =	stream.indirect_vreg.gather [hbm4b:s6+s3], $0x80, v5, vm0, $0xb8;
	[tilespmem:$0x1EF00] =	vst v63  }
0x165: {  	s19 =	simm.s32 $0xB700  }
0x166: {  	[tilespmem:s19], [sflag:$0x1] =	stream.indirect_vreg.gather [hbm4b:s1+s3], $0x80, v4, vm0, $0xb8;
	[tilespmem:$0x1EF00] =	vst v63  }
0x167: {  	s11 =	simm.s32 $0xBF00  }
0x168: {  	[tilespmem:s11], [sflag:$0x1] =	stream.indirect_vreg.gather [hbm4b:s5+s3], $0x80, v4, vm0, $0xb8;
	[tilespmem:$0x1EF00] =	vst v63  }
0x169: {  	s21 =	simm.s32 $0xC700  }
0x16a: {  	[tilespmem:s21], [sflag:$0x1] =	stream.indirect_vreg.gather [hbm4b:s6+s3], $0x80, v4, vm0, $0xb8;
	[tilespmem:$0x1EF00] =	vst v63  }
0x16b: {  	_ =	swait.ge [sflag:s8], $0x6000  }
0x16c: {  	[sflag:s8] =	ssyncset.done $0x0  }
0x16d: {  	s21 =	simm.s32 $0x18F00;
	s11 =	rddreg [dreg:$0xe];
	[sflag:s8] =	ssyncadd.s32 $0xFFFFA000  }
0x16e: {  	[hbm4b:s11+s3] =	stream.linear.scatter [tilespmem:s21], [sflag:$0x2], $0x6000, $0x38;
	[tilespmem:$0x1EF00] =	vst v63  }
0x16f: {  	_ =	swait.ge [sflag:s10], $0x6000  }
0x170: {  	[sflag:s10] =	ssyncset.done $0x0  }
0x171: {  	[sflag:s10] =	ssyncadd.s32 $0xFFFFA000  }
0x172: {  	v4 =	vld [tilespmem:$0xE0];
	_ =	sdelay $0x4  }
0x173: {  	v5 =	vshrl.u32 v4, $0x3  }
0x174: {  	v5 =	vmul.u32 $0x30, v5  }
0x175: {  	v4 =	vand.u32 $0x7, v4  }
0x176: {  	v4 =	vor.u32 v4, v5  }
0x177: {  	v5 =	vperm.xlane v4, v0;
	_ =	sdelay $0x1  }
0x178: {  	v5 =	vadd.s32 v1, v5;
	_ =	sdelay $0x3  }
0x179: {  	s12 =	simm.s32 $0xCF00;
	v4 =	vperm.xlane v4, v2  }
0x17a: {  	[tilespmem:s12], [sflag:$0x1] =	stream.indirect_vreg.gather [hbm4b:s1+s3], $0x80, v5, vm0, $0xb8;
	[tilespmem:$0x1EF00] =	vst v63  }
0x17b: {  	s21 =	simm.s32 $0xD700;
	v4 =	vadd.s32 v1, v4  }
0x17c: {  	[tilespmem:s21], [sflag:$0x1] =	stream.indirect_vreg.gather [hbm4b:s5+s3], $0x80, v5, vm0, $0xb8;
	[tilespmem:$0x1EF00] =	vst v63  }
0x17d: {  	s13 =	simm.s32 $0xDF00  }
0x17e: {  	[tilespmem:s13], [sflag:$0x1] =	stream.indirect_vreg.gather [hbm4b:s6+s3], $0x80, v5, vm0, $0xb8;
	[tilespmem:$0x1EF00] =	vst v63  }
0x17f: {  	s21 =	simm.s32 $0xE700  }
0x180: {  	[tilespmem:s21], [sflag:$0x1] =	stream.indirect_vreg.gather [hbm4b:s1+s3], $0x80, v4, vm0, $0xb8;
	[tilespmem:$0x1EF00] =	vst v63  }
0x181: {  	s13 =	simm.s32 $0xEF00  }
0x182: {  	[tilespmem:s13], [sflag:$0x1] =	stream.indirect_vreg.gather [hbm4b:s5+s3], $0x80, v4, vm0, $0xb8;
	[tilespmem:$0x1EF00] =	vst v63  }
0x183: {  	s21 =	simm.s32 $0xF700  }
0x184: {  	[tilespmem:s21], [sflag:$0x1] =	stream.indirect_vreg.gather [hbm4b:s6+s3], $0x80, v4, vm0, $0xb8;
	[tilespmem:$0x1EF00] =	vst v63  }
0x185: {  	v4 =	vld [tilespmem:$0xF0];
	_ =	sdelay $0x4  }
0x186: {  	v5 =	vshrl.u32 v4, $0x3  }
0x187: {  	v5 =	vmul.u32 $0x30, v5  }
0x188: {  	v4 =	vand.u32 $0x7, v4  }
0x189: {  	v4 =	vor.u32 v4, v5  }
0x18a: {  	v5 =	vperm.xlane v4, v0;
	_ =	sdelay $0x1  }
0x18b: {  	v5 =	vadd.s32 v1, v5;
	_ =	sdelay $0x3  }
0x18c: {  	s13 =	simm.s32 $0xFF00;
	v4 =	vperm.xlane v4, v2  }
0x18d: {  	[tilespmem:s13], [sflag:$0x1] =	stream.indirect_vreg.gather [hbm4b:s1+s3], $0x80, v5, vm0, $0xb8;
	[tilespmem:$0x1EF00] =	vst v63  }
0x18e: {  	s21 =	simm.s32 $0x10700;
	v4 =	vadd.s32 v1, v4  }
0x18f: {  	[tilespmem:s21], [sflag:$0x1] =	stream.indirect_vreg.gather [hbm4b:s5+s3], $0x80, v5, vm0, $0xb8;
	[tilespmem:$0x1EF00] =	vst v63  }
0x190: {  	s13 =	simm.s32 $0x10F00  }
0x191: {  	[tilespmem:s13], [sflag:$0x1] =	stream.indirect_vreg.gather [hbm4b:s6+s3], $0x80, v5, vm0, $0xb8;
	[tilespmem:$0x1EF00] =	vst v63  }
0x192: {  	s21 =	simm.s32 $0x11700  }
0x193: {  	[tilespmem:s21], [sflag:$0x1] =	stream.indirect_vreg.gather [hbm4b:s1+s3], $0x80, v4, vm0, $0xb8;
	[tilespmem:$0x1EF00] =	vst v63  }
0x194: {  	s13 =	simm.s32 $0x11F00  }
0x195: {  	[tilespmem:s13], [sflag:$0x1] =	stream.indirect_vreg.gather [hbm4b:s5+s3], $0x80, v4, vm0, $0xb8;
	[tilespmem:$0x1EF00] =	vst v63  }
0x196: {  	s21 =	simm.s32 $0x12700  }
0x197: {  	[tilespmem:s21], [sflag:$0x1] =	stream.indirect_vreg.gather [hbm4b:s6+s3], $0x80, v4, vm0, $0xb8;
	[tilespmem:$0x1EF00] =	vst v63  }
0x198: {  	_ =	swait.ge [sflag:s8], $0x6000  }
0x199: {  	[sflag:s8] =	ssyncset.done $0x0  }
0x19a: {  	s11 =	rddreg [dreg:$0xf];
	[sflag:s8] =	ssyncadd.s32 $0xFFFFA000  }
0x19b: {  	[hbm4b:s11+s3] =	stream.linear.scatter [tilespmem:s2], [sflag:$0x2], $0x6000, $0x38;
	[tilespmem:$0x1EF00] =	vst v63  }
0x19c: {  	_ =	swait.ge [sflag:s8], $0x6000  }
0x19d: {  	[sflag:s8] =	ssyncset.done $0x0  }
0x19e: {  	s21 =	rddreg [dreg:$0x10];
	[sflag:s8] =	ssyncadd.s32 $0xFFFFA000  }
0x19f: {  	[hbm4b:s21+s3] =	stream.linear.scatter [tilespmem:s23], [sflag:$0x2], $0x6000, $0x38;
	[tilespmem:$0x1EF00] =	vst v63  }
0x1a0: {  	_ =	swait.ge [sflag:s8], $0x6000  }
0x1a1: {  	[sflag:s8] =	ssyncset.done $0x0  }
0x1a2: {  	s11 =	rddreg [dreg:$0x11];
	[sflag:s8] =	ssyncadd.s32 $0xFFFFA000  }
0x1a3: {  	[hbm4b:s11+s3] =	stream.linear.scatter [tilespmem:s12], [sflag:$0x2], $0x6000, $0x38;
	[tilespmem:$0x1EF00] =	vst v63  }
0x1a4: {  	_ =	swait.ge [sflag:s10], $0x6000  }
0x1a5: {  	[sflag:s10] =	ssyncset.done $0x0  }
0x1a6: {  	[sflag:s10] =	ssyncadd.s32 $0xFFFFA000  }
0x1a7: {  	_ =	swait.ge [sflag:s10], $0x6000  }
0x1a8: {  	[sflag:s10] =	ssyncset.done $0x0  }
0x1a9: {  	[sflag:s10] =	ssyncadd.s32 $0xFFFFA000  }
0x1aa: {  	_ =	swait.ge [sflag:s10], $0x6000  }
0x1ab: {  	[sflag:s10] =	ssyncset.done $0x0  }
0x1ac: {  	[sflag:s10] =	ssyncadd.s32 $0xFFFFA000  }
0x1ad: {  	_ =	swait.ge [sflag:s10], $0x6000  }
0x1ae: {  	[sflag:s10] =	ssyncset.done $0x0  }
0x1af: {  	[sflag:s10] =	ssyncadd.s32 $0xFFFFA000  }
0x1b0: {  	_ =	swait.ge [sflag:s10], $0x6000  }
0x1b1: {  	[sflag:s10] =	ssyncset.done $0x0  }
0x1b2: {  	s11 =	simm.s32 $0x3;
	[sflag:s10] =	ssyncadd.s32 $0xFFFFA000  }
0x1b3: {  	_ =	swait.ge [sflag:s11], $0x100  }
0x1b4: {  	[sflag:s11] =	ssyncset.done $0x0  }
0x1b5: {  	[sflag:s11] =	ssyncadd.s32 $0xFFFFFF00  }
0x1b6: {  	_ =	swait.ge [sflag:s11], $0xC00  }
0x1b7: {  	s13 =	rddreg [dreg:$0x14]  }
0x1b8: {  	s21 =	sadd.s32 $0x1, s13;
	s13 =	rddreg [dreg:$0x12]  }
0x1b9: {  	p0 =	sne.s32 s21, s13  }
.Ltmp1:
0x1ba: {  	_ = 	snop;
	(pc) =	sbr.rel @p0 .LBB2_1-.Ltmp1, $3  }
0x1bb: {  	_ =	sdelay $0x1  }
0x1bc: {  	[sflag:s11] =	ssyncset.done $0x0  }
0x1bd: {  	[sflag:s11] =	ssyncadd.s32 $0xFFFFF400;
	[dreg:$0x14] =	wrdreg s21;
	s21 =	simm.s32 $0x18F00  }
0x1be: {  	_ =	sfence.sel $0x180000  }
0x1bf: {  	[bflag:$0x0] =	sbarrier.arrive $0xFFFF  }
0x1c0: {  	_ =	strace $0x90000047  }
0x1c1: {  	s0 =	stileid.u32;
	[bflag:$0x2] =	sbarrier.arrive $0xFFFF  }
0x1c2: {  	p0 =	sne.s32 s0, $0x0;
	s0 =	rddreg [dreg:$0x6]  }
0x1c3: {  	s0 =	sadd.s32 @!p0 $0x100000, s0  }
0x1c4: {  	[sflag:s0] =	ssyncadd.tile.s32 @!p0 $0x1;
	_ =	shalt  }
.Lfunc_end2:
_tile_overlayer_lowered:
.L_overlay_start_2:
0x1c5: {  	(tag) =	ssettag $0x2  }
0x1c6: {  	s0 =	rddreg [dreg:$0x0];
	s2 =	stileid.u32  }
0x1c7: {  	s1 =	rddreg [dreg:$0x1];
	p0 =	sne.s32 s2, $0x0  }
0x1c8: {  	s3 =	rddreg [dreg:$0x2];
	[bflag:$0x3] =	sbarrier.arrive $0xFFFF;
	s2 =	simm.s32 @!p0 $0x1C04  }
0x1c9: {  	[timem:s3], [sflag:s2] =	dma.local @!p0 [hbm:s0], s1  }
0x1ca: {  	s0 =	simm.s32 @!p0 $0x4  }
0x1cb: {  	_ =	swait.ge @!p0 [sflag:s0], s1  }
0x1cc: {  	s1 =	ssub.s32 @!p0 $0x0, s1;
	[sflag:s0] =	ssyncset.done @!p0 $0x0  }
0x1cd: {  	[sflag:s0] =	ssyncadd.s32 @!p0 s1  }
0x1ce: {  	[bflag:$0x3] =	sbarrier.arrive $0xFFFF  }
0x1cf: {  	_ =	shalt  }

</sc_bundles>
